<compile_context>
chip_gen: v7x
topology: tpu7x:2x2x1
jax: 0.10.2.dev20260603
libtpu: 0.0.44.dev20260713+nightly
codegen_flags: <defaults>
</compile_context>

<pallas_src>
import functools

import jax
import jax.numpy as jnp
from jax import lax
from jax.experimental import pallas as pl
from jax.experimental.pallas import tpu as pltpu
from jax.experimental.pallas import tpu_sc as plsc

_NC = 2
_NS = 16
_NW = _NC * _NS
_CH = 128


def _s1_body(x_ref, wnT_ref, bn_ref, weT_ref, be_ref, g_ref, bt_ref, wc_ref,
             natt_ref, da_ref, db_ref, h_ref):
    x = x_ref[...]
    nv = wnT_ref[0, :] - wnT_ref[1, :]
    H = x.shape[1]
    ev_s = weT_ref[0, :H] - weT_ref[1, :H]
    ev_d = weT_ref[0, H:] - weT_ref[1, H:]
    nlog = jnp.sum(x * nv[None, :], axis=1, keepdims=True)
    nlog = nlog + (bn_ref[0, 0] - bn_ref[0, 1])
    natt = 1.0 / (1.0 + jnp.exp(-nlog))
    da = jnp.sum(x * ev_s[None, :], axis=1, keepdims=True)
    db = jnp.sum(x * ev_d[None, :], axis=1, keepdims=True)
    db = db + (be_ref[0, 0] - be_ref[0, 1])
    xc = natt * x
    mean = jnp.mean(xc, axis=0, keepdims=True)
    var = jnp.mean((xc - mean) ** 2, axis=0, keepdims=True)
    xb = (xc - mean) * lax.rsqrt(var + 1e-5) * g_ref[...] + bt_ref[...]
    h_ref[...] = jnp.dot(xb, wc_ref[...], preferred_element_type=jnp.float32)
    natt_ref[...] = natt
    da_ref[...] = da
    db_ref[...] = db


def _s1(x, wnT, bn2, weT, be2, gamma, beta, wc):
    N, H = x.shape
    f32 = jnp.float32
    return pl.pallas_call(
        _s1_body,
        out_shape=[
            jax.ShapeDtypeStruct((N, 1), f32),
            jax.ShapeDtypeStruct((N, 1), f32),
            jax.ShapeDtypeStruct((N, 1), f32),
            jax.ShapeDtypeStruct((N, H), f32),
        ],
    )(x, wnT, bn2, weT, be2, gamma, beta, wc)


def _s2(src_pad, dst_pad, da, db, E, N):
    E_pad = src_pad.shape[0]
    EPW = E_pad // _NW
    f32, i32 = jnp.float32, jnp.int32
    mesh = plsc.VectorSubcoreMesh(core_axis_name="c", subcore_axis_name="s", num_cores=_NC, num_subcores=_NS)

    @functools.partial(
        pl.kernel,
        out_type=[
            jax.ShapeDtypeStruct((E_pad,), f32),
            jax.ShapeDtypeStruct((_NW * N,), f32),
        ],
        mesh=mesh,
        scratch_types=[
            pltpu.VMEM((EPW,), i32),
            pltpu.VMEM((EPW,), i32),
            pltpu.VMEM((N,), f32),
            pltpu.VMEM((N,), f32),
            pltpu.VMEM((N,), f32),
            pltpu.VMEM((EPW,), f32),
        ],
        compiler_params=pltpu.CompilerParams(needs_layout_passes=False),
    )
    def k(src_h, dst_h, da_h, db_h, ea_h, degp_h,
          src_v, dst_v, da_v, db_v, deg_v, ea_v):
        cid = lax.axis_index("c")
        sid = lax.axis_index("s")
        wid = cid * _NS + sid
        base = wid * EPW
        pltpu.sync_copy(src_h.at[pl.ds(base, EPW)], src_v)
        pltpu.sync_copy(dst_h.at[pl.ds(base, EPW)], dst_v)
        pltpu.sync_copy(da_h, da_v)
        pltpu.sync_copy(db_h, db_v)

        def zbody(i, c):
            deg_v[pl.ds(i * 16, 16)] = jnp.zeros((16,), f32)
            return c
        lax.fori_loop(0, N // 16, zbody, 0)

        iota = lax.broadcasted_iota(i32, (16,), 0)

        def body(j, c):
            off = j * 16
            sidx = src_v[pl.ds(off, 16)]
            didx = dst_v[pl.ds(off, 16)]
            a = plsc.load_gather(da_v, [sidx])
            b = plsc.load_gather(db_v, [didx])
            ea = 1.0 / (1.0 + jnp.exp(-(a + b)))
            g = base + off + iota
            ea = jnp.where(g < E, ea, 0.0)
            ea_v[pl.ds(off, 16)] = ea
            plsc.addupdate_scatter(deg_v, [sidx], ea)
            return c
        lax.fori_loop(0, EPW // 16, body, 0)

        pltpu.sync_copy(ea_v, ea_h.at[pl.ds(base, EPW)])
        pltpu.sync_copy(deg_v, degp_h.at[pl.ds(wid * N, N)])

    return k(src_pad, dst_pad, da, db)


def _s3_body(degp_ref, h_ref, dinv_ref, h2_ref):
    NW = degp_ref.shape[0]
    N, H = h_ref.shape
    ones = jnp.ones((NW, 1), jnp.float32)
    dc = lax.dot_general(degp_ref[...], ones, (((0,), (0,)), ((), ())),
                         preferred_element_type=jnp.float32)
    deg = dc + 1.0
    dinv = lax.rsqrt(deg)
    dinv_ref[...] = dinv
    h2_ref[pl.ds(0, N), :] = dinv * h_ref[...]
    h2_ref[pl.ds(N, h2_ref.shape[0] - N), :] = jnp.zeros(
        (h2_ref.shape[0] - N, H), jnp.float32)


def _s3(degp, h, N_pad):
    N, H = h.shape
    f32 = jnp.float32
    return pl.pallas_call(
        _s3_body,
        out_shape=[
            jax.ShapeDtypeStruct((N, 1), f32),
            jax.ShapeDtypeStruct((N_pad, H), f32),
        ],
    )(degp, h)


def _s4(h2p, src2, dst2, ea, N_pad, H):
    K = src2.shape[1]
    EPW = K * _CH
    f32, i32 = jnp.float32, jnp.int32
    RPT = N_pad // _NS
    NZ = RPT // _CH
    mesh = plsc.VectorSubcoreMesh(core_axis_name="c", subcore_axis_name="s", num_cores=_NC, num_subcores=_NS)

    @functools.partial(
        pl.kernel,
        out_type=jax.ShapeDtypeStruct((_NC, N_pad, H), f32),
        mesh=mesh,
        scratch_types=[
            pltpu.VMEM((K, _CH), i32),
            pltpu.VMEM((K, _CH), i32),
            pltpu.VMEM((EPW,), f32),
            pltpu.VMEM((_CH, H), f32),
            pltpu.VMEM_SHARED((N_pad, H), f32),
        ],
        compiler_params=pltpu.CompilerParams(needs_layout_passes=False),
    )
    def k(h2_h, src2_h, dst2_h, ea_h, accs_h,
          src_v, dst_v, ea_v, rows_v, acc_s):
        cid = lax.axis_index("c")
        sid = lax.axis_index("s")
        wid = cid * _NS + sid

        def zb(i, c):
            for t in range(H // 16):
                rows_v[i, pl.ds(t * 16, 16)] = jnp.zeros((16,), f32)
            return c
        lax.fori_loop(0, _CH, zb, 0)
        for t5 in range(NZ):
            pltpu.sync_copy(rows_v,
                            acc_s.at[pl.ds(sid * RPT + t5 * _CH, _CH)])
        plsc.subcore_barrier()

        pltpu.sync_copy(src2_h.at[wid], src_v)
        pltpu.sync_copy(dst2_h.at[wid], dst_v)
        pltpu.sync_copy(ea_h.at[pl.ds(wid * EPW, EPW)], ea_v)

        def chunk(kk, c):
            pltpu.sync_copy(h2_h.at[src_v.at[kk]], rows_v)

            def ebody(e, c2):
                eav = plsc.load_gather(
                    ea_v, [jnp.full((16,), kk * _CH + e, i32)])
                for t in range(H // 16):
                    sl = pl.ds(t * 16, 16)
                    rows_v[e, sl] = rows_v[e, sl] * eav
                return c2
            lax.fori_loop(0, _CH, ebody, 0)

            pltpu.sync_copy(rows_v, acc_s.at[dst_v.at[kk]], add=True)
            return c
        lax.fori_loop(0, K, chunk, 0)

        plsc.subcore_barrier()
        pltpu.sync_copy(acc_s.at[pl.ds(sid * RPT, RPT)],
                        accs_h.at[cid, pl.ds(sid * RPT, RPT)])

    return k(h2p, src2, dst2, ea)


def _s5_body(accs_ref, h2_ref, dinv_ref, bc_ref, batch_ref, pooled_ref):
    G = pooled_ref.shape[0]
    N = batch_ref.shape[0]
    acc = accs_ref[0, pl.ds(0, N), :] + accs_ref[1, pl.ds(0, N), :]
    h2 = h2_ref[pl.ds(0, N), :]
    agg = dinv_ref[...] * (acc + h2) + bc_ref[...]
    out = jnp.where(agg > 0, agg, jnp.exp(agg) - 1.0)
    gi = lax.broadcasted_iota(jnp.int32, (1, G), 1)
    oh = (batch_ref[...] == gi).astype(jnp.float32)
    pooled_ref[...] = lax.dot_general(
        oh, out, (((0,), (0,)), ((), ())),
        preferred_element_type=jnp.float32)


def _s5(accs, h2, dinv, bc, batch_col, G):
    H = h2.shape[1]
    return pl.pallas_call(
        _s5_body,
        out_shape=jax.ShapeDtypeStruct((G, H), jnp.float32),
    )(accs, h2, dinv, bc, batch_col)


def kernel(x, edge_index, batch, W_node, b_node, W_edge, b_edge,
           bn_gamma, bn_beta, W_conv, b_conv):
    N, H = x.shape
    E = edge_index.shape[1]
    G = 256
    i32 = jnp.int32

    quant = _NW * _CH
    E_pad = ((E + quant - 1) // quant) * quant
    EPW = E_pad // _NW
    K = EPW // _CH
    pad = E_pad - E
    src = jnp.concatenate([edge_index[0], jnp.zeros((pad,), i32)])
    dst = jnp.concatenate([edge_index[1], jnp.zeros((pad,), i32)])

    natt, da, db, h = _s1(
        x, W_node.T, b_node.reshape(1, 2), W_edge.T, b_edge.reshape(1, 2),
        bn_gamma.reshape(1, H), bn_beta.reshape(1, H), W_conv)

    ea, degp = _s2(src, dst, da.reshape(N), db.reshape(N), E, N)

    N_pad = _NS * _CH * ((N + _NS * _CH - 1) // (_NS * _CH))
    dinv, h2p = _s3(degp.reshape(_NW, N), h, N_pad)

    accs = _s4(h2p, src.reshape(_NW, K, _CH), dst.reshape(_NW, K, _CH),
               ea, N_pad, H)

    pooled = _s5(accs, h2p, dinv, b_conv.reshape(1, H),
                 batch.reshape(N, 1), G)

    return (pooled, ea[:E], natt)

# --- scband reference (transcript-rebuilt; emitter-appended) ---
"""Pipeline reference for scband-xc-8993661518240 (READ-ONLY COPY).

The authoritative reference and input builder live on the scoring server;
editing this copy changes nothing except your own understanding.
"""

import jax, jax.numpy as jnp
import numpy as np

N = 10000
E = 320000
H = 128
G = 256


def setup_inputs(seed: int = 0) -> dict:
    key = jax.random.key(seed)
    ks = jax.random.split(key, 8)
    x = jax.random.normal(ks[0], (N, H), dtype=jnp.float32)
    edge_index = jax.random.randint(ks[1], (2, E), 0, N, dtype=jnp.int32)
    batch = jnp.sort(jax.random.randint(ks[2], (N,), 0, G, dtype=jnp.int32))
    # att_cov parameters (node/edge attention heads producing 2-way softmax)
    W_node = jax.random.normal(ks[3], (H, 2), dtype=jnp.float32) * 0.05
    b_node = jnp.zeros((2,), dtype=jnp.float32)
    W_edge = jax.random.normal(ks[4], (2 * H, 2), dtype=jnp.float32) * 0.05
    b_edge = jnp.zeros((2,), dtype=jnp.float32)
    # BatchNorm1d params (init per module: weight=1, bias=1e-4)
    bn_gamma = jnp.ones((H,), dtype=jnp.float32)
    bn_beta = jnp.full((H,), 1e-4, dtype=jnp.float32)
    # GCNConv params
    W_conv = jax.random.normal(ks[5], (H, H), dtype=jnp.float32) * (1.0 / np.sqrt(H))
    b_conv = jnp.zeros((H,), dtype=jnp.float32)
    return {"x": x, "edge_index": edge_index, "batch": batch,
            "W_node": W_node, "b_node": b_node, "W_edge": W_edge, "b_edge": b_edge,
            "bn_gamma": bn_gamma, "bn_beta": bn_beta, "W_conv": W_conv, "b_conv": b_conv}


def reference(x, edge_index, batch, W_node, b_node, W_edge, b_edge, bn_gamma, bn_beta, W_conv, b_conv):
    src = edge_index[0]
    dst = edge_index[1]
    # att_cov: node attention and edge attention (2-way softmax each)
    node_att_full = jax.nn.softmax(x @ W_node + b_node, axis=-1)            # [N, 2]
    edge_feat = jnp.concatenate([x[src], x[dst]], axis=-1)                   # [E, 2H]
    edge_att_full = jax.nn.softmax(edge_feat @ W_edge + b_edge, axis=-1)     # [E, 2]
    edge_att = edge_att_full[:, 0]                                           # [E]
    node_att = node_att_full[:, 0].reshape(-1, 1)                            # [N, 1]
    # xc = node_att * x
    xc = node_att * x
    # BatchNorm1d (training-mode batch statistics)
    mean = jnp.mean(xc, axis=0)
    var = jnp.var(xc, axis=0)
    xb = (xc - mean) / jnp.sqrt(var + 1e-5) * bn_gamma + bn_beta
    # GCNConv(hidden, hidden) with edge weights (edge_norm=True): add self loops,
    # symmetric normalization, scatter-add aggregation
    h = xb @ W_conv                                                          # [N, H]
    loop = jnp.arange(N, dtype=src.dtype)
    row = jnp.concatenate([src, loop])
    col = jnp.concatenate([dst, loop])
    ew = jnp.concatenate([edge_att, jnp.ones((N,), dtype=edge_att.dtype)])
    deg = jax.ops.segment_sum(ew, row, num_segments=N)
    dinv = jnp.where(deg > 0, jax.lax.rsqrt(jnp.maximum(deg, 1e-12)), 0.0)
    norm = dinv[row] * ew * dinv[col]
    agg = jax.ops.segment_sum(norm[:, None] * h[row], col, num_segments=N) + b_conv
    out = jax.nn.elu(agg)
    # dropout p=0.0 -> identity
    # global_add_pool
    pooled = jax.ops.segment_sum(out, batch, num_segments=G)                 # [G, H]
    return (pooled, edge_att, node_att)

if __name__ == "__main__":
    import jax
    _d = setup_inputs()
    print(jax.jit(kernel)(*tuple(_d.values())))

</pallas_src>

<mosaic_0001>
#map = affine_map<(d0, d1) -> (0, 0)>
#map1 = affine_map<(d0, d1) -> (0, 0, 0)>
#map2 = affine_map<(d0, d1) -> (0)>
module attributes {stable_mosaic.version = 14 : i64} {
  func.func @k(%arg0: i32, %arg1: i32, %arg2: memref<10240x128xf32, #tpu.memory_space<hbm>>, %arg3: memref<32x79x128xi32, #tpu.memory_space<hbm>>, %arg4: memref<32x79x128xi32, #tpu.memory_space<hbm>>, %arg5: memref<323584xf32, #tpu.memory_space<hbm>>, %arg6: memref<2x10240x128xf32, #tpu.memory_space<hbm>>, %arg7: memref<79x128xi32, #tpu.memory_space<vmem>>, %arg8: memref<79x128xi32, #tpu.memory_space<vmem>>, %arg9: memref<10112xf32, #tpu.memory_space<vmem>>, %arg10: memref<128x128xf32, #tpu.memory_space<vmem>>, %arg11: memref<10240x128xf32, #tpu.memory_space<vmem_shared>>) attributes {dimension_semantics = [#tpu.dimension_semantics<core_parallel>, #tpu.dimension_semantics<subcore_parallel>], iteration_bounds = array<i64: 2, 16>, scalar_prefetch = 0 : i64, scratch_operands = 5 : i64, tpu.core_type = #tpu.core_type<sc_vector_subcore>, window_params = [{transform_indices = #map}, {transform_indices = #map1}, {transform_indices = #map1}, {transform_indices = #map2}, {transform_indices = #map1}]} {
    %mul3A = arith.constant 16 : i32
    %mul3A_0 = arith.muli %arg0, %mul3A : i32
    %add3A = arith.addi %mul3A_0, %arg1 : i32
    %scan3A = arith.constant 0 : i32
    %scan3A_1 = arith.constant 0 : i32
    %scan3A_2 = arith.constant 128 : i32
    %scan3A_3 = arith.addi %scan3A_1, %scan3A_2 : i32
    %scan3A_4 = arith.constant 1 : i32
    scf.for %scan3A_39 = %scan3A_1 to %scan3A_3 step %scan3A_4  : i32 {
      %broadcast_in_dim3A = arith.constant 0.000000e+00 : f32
      %broadcast_in_dim3A_40 = vector.broadcast %broadcast_in_dim3A : f32 to vector<16xf32>
      %swap3A = arith.index_cast %scan3A_39 : i32 to index
      %swap3A_41 = arith.constant 0 : index
      %swap3A_42 = tpu.vector_load %arg10[%swap3A, %swap3A_41] {strides = array<i32>} : memref<128x128xf32, #tpu.memory_space<vmem>>, vector<16xf32>,
      tpu.vector_store %arg10[%swap3A, %swap3A_41], %broadcast_in_dim3A_40 {strides = array<i32>} : memref<128x128xf32, #tpu.memory_space<vmem>>, vector<16xf32>,
      %broadcast_in_dim3A_43 = arith.constant 0.000000e+00 : f32
      %broadcast_in_dim3A_44 = vector.broadcast %broadcast_in_dim3A_43 : f32 to vector<16xf32>
      %swap3A_45 = arith.index_cast %scan3A_39 : i32 to index
      %swap3A_46 = arith.constant 16 : index
      %swap3A_47 = tpu.vector_load %arg10[%swap3A_45, %swap3A_46] {strides = array<i32>} : memref<128x128xf32, #tpu.memory_space<vmem>>, vector<16xf32>,
      tpu.vector_store %arg10[%swap3A_45, %swap3A_46], %broadcast_in_dim3A_44 {strides = array<i32>} : memref<128x128xf32, #tpu.memory_space<vmem>>, vector<16xf32>,
      %broadcast_in_dim3A_48 = arith.constant 0.000000e+00 : f32
      %broadcast_in_dim3A_49 = vector.broadcast %broadcast_in_dim3A_48 : f32 to vector<16xf32>
      %swap3A_50 = arith.index_cast %scan3A_39 : i32 to index
      %swap3A_51 = arith.constant 32 : index
      %swap3A_52 = tpu.vector_load %arg10[%swap3A_50, %swap3A_51] {strides = array<i32>} : memref<128x128xf32, #tpu.memory_space<vmem>>, vector<16xf32>,
      tpu.vector_store %arg10[%swap3A_50, %swap3A_51], %broadcast_in_dim3A_49 {strides = array<i32>} : memref<128x128xf32, #tpu.memory_space<vmem>>, vector<16xf32>,
      %broadcast_in_dim3A_53 = arith.constant 0.000000e+00 : f32
      %broadcast_in_dim3A_54 = vector.broadcast %broadcast_in_dim3A_53 : f32 to vector<16xf32>
      %swap3A_55 = arith.index_cast %scan3A_39 : i32 to index
      %swap3A_56 = arith.constant 48 : index
      %swap3A_57 = tpu.vector_load %arg10[%swap3A_55, %swap3A_56] {strides = array<i32>} : memref<128x128xf32, #tpu.memory_space<vmem>>, vector<16xf32>,
      tpu.vector_store %arg10[%swap3A_55, %swap3A_56], %broadcast_in_dim3A_54 {strides = array<i32>} : memref<128x128xf32, #tpu.memory_space<vmem>>, vector<16xf32>,
      %broadcast_in_dim3A_58 = arith.constant 0.000000e+00 : f32
      %broadcast_in_dim3A_59 = vector.broadcast %broadcast_in_dim3A_58 : f32 to vector<16xf32>
      %swap3A_60 = arith.index_cast %scan3A_39 : i32 to index
      %swap3A_61 = arith.constant 64 : index
      %swap3A_62 = tpu.vector_load %arg10[%swap3A_60, %swap3A_61] {strides = array<i32>} : memref<128x128xf32, #tpu.memory_space<vmem>>, vector<16xf32>,
      tpu.vector_store %arg10[%swap3A_60, %swap3A_61], %broadcast_in_dim3A_59 {strides = array<i32>} : memref<128x128xf32, #tpu.memory_space<vmem>>, vector<16xf32>,
      %broadcast_in_dim3A_63 = arith.constant 0.000000e+00 : f32
      %broadcast_in_dim3A_64 = vector.broadcast %broadcast_in_dim3A_63 : f32 to vector<16xf32>
      %swap3A_65 = arith.index_cast %scan3A_39 : i32 to index
      %swap3A_66 = arith.constant 80 : index
      %swap3A_67 = tpu.vector_load %arg10[%swap3A_65, %swap3A_66] {strides = array<i32>} : memref<128x128xf32, #tpu.memory_space<vmem>>, vector<16xf32>,
      tpu.vector_store %arg10[%swap3A_65, %swap3A_66], %broadcast_in_dim3A_64 {strides = array<i32>} : memref<128x128xf32, #tpu.memory_space<vmem>>, vector<16xf32>,
      %broadcast_in_dim3A_68 = arith.constant 0.000000e+00 : f32
      %broadcast_in_dim3A_69 = vector.broadcast %broadcast_in_dim3A_68 : f32 to vector<16xf32>
      %swap3A_70 = arith.index_cast %scan3A_39 : i32 to index
      %swap3A_71 = arith.constant 96 : index
      %swap3A_72 = tpu.vector_load %arg10[%swap3A_70, %swap3A_71] {strides = array<i32>} : memref<128x128xf32, #tpu.memory_space<vmem>>, vector<16xf32>,
      tpu.vector_store %arg10[%swap3A_70, %swap3A_71], %broadcast_in_dim3A_69 {strides = array<i32>} : memref<128x128xf32, #tpu.memory_space<vmem>>, vector<16xf32>,
      %broadcast_in_dim3A_73 = arith.constant 0.000000e+00 : f32
      %broadcast_in_dim3A_74 = vector.broadcast %broadcast_in_dim3A_73 : f32 to vector<16xf32>
      %swap3A_75 = arith.index_cast %scan3A_39 : i32 to index
      %swap3A_76 = arith.constant 112 : index
      %swap3A_77 = tpu.vector_load %arg10[%swap3A_75, %swap3A_76] {strides = array<i32>} : memref<128x128xf32, #tpu.memory_space<vmem>>, vector<16xf32>,
      tpu.vector_store %arg10[%swap3A_75, %swap3A_76], %broadcast_in_dim3A_74 {strides = array<i32>} : memref<128x128xf32, #tpu.memory_space<vmem>>, vector<16xf32>,
    }
    %scan3A_5 = arith.constant 128 : i32
    %mul3A_6 = arith.constant 640 : i32
    %mul3A_7 = arith.muli %arg1, %mul3A_6 : i32
    %add3A_8 = arith.constant 0 : i32
    %add3A_9 = arith.addi %mul3A_7, %add3A_8 : i32
    "tpu.region"() ({
      %run_scoped3A = tpu.sem_alloc : memref<!tpu.dma_semaphore, #tpu.memory_space<semaphore_mem>>
      %dma_start3A = arith.constant 0 : i32
      %dma_start3A_39 = tpu.memref_slice %arg11[%add3A_9, %dma_start3A] : memref<10240x128xf32, #tpu.memory_space<vmem_shared>> -> memref<128x128xf32, #tpu.memory_space<vmem_shared>>
      %dma_start3A_40 = arith.constant 0 : i32
      %dma_start3A_41 = tpu.memref_slice %arg11[%add3A_9, %dma_start3A_40] : memref<10240x128xf32, #tpu.memory_space<vmem_shared>> -> memref<128x128xf32, #tpu.memory_space<vmem_shared>>
      tpu.enqueue_dma source(%arg10 : memref<128x128xf32, #tpu.memory_space<vmem>>) target(%dma_start3A_41 : memref<128x128xf32, #tpu.memory_space<vmem_shared>>) target_semaphore(%run_scoped3A : memref<!tpu.dma_semaphore, #tpu.memory_space<semaphore_mem>>)
      %dma_wait3A = arith.constant 0 : i32
      %dma_wait3A_42 = tpu.memref_slice %arg11[%add3A_9, %dma_wait3A] : memref<10240x128xf32, #tpu.memory_space<vmem_shared>> -> memref<128x128xf32, #tpu.memory_space<vmem_shared>>
      %dma_wait3A_43 = arith.constant 0 : i32
      %dma_wait3A_44 = tpu.memref_slice %arg11[%add3A_9, %dma_wait3A_43] : memref<10240x128xf32, #tpu.memory_space<vmem_shared>> -> memref<128x128xf32, #tpu.memory_space<vmem_shared>>
      tpu.wait_dma2 semaphore(%run_scoped3A : memref<!tpu.dma_semaphore, #tpu.memory_space<semaphore_mem>>) src(%arg10 : memref<128x128xf32, #tpu.memory_space<vmem>>) dst(%dma_wait3A_44 : memref<128x128xf32, #tpu.memory_space<vmem_shared>>)
      tpu.yield
    }) : () -> ()
    %mul3A_10 = arith.constant 640 : i32
    %mul3A_11 = arith.muli %arg1, %mul3A_10 : i32
    %add3A_12 = arith.constant 128 : i32
    %add3A_13 = arith.addi %mul3A_11, %add3A_12 : i32
    "tpu.region"() ({
      %run_scoped3A = tpu.sem_alloc : memref<!tpu.dma_semaphore, #tpu.memory_space<semaphore_mem>>
      %dma_start3A = arith.constant 0 : i32
      %dma_start3A_39 = tpu.memref_slice %arg11[%add3A_13, %dma_start3A] : memref<10240x128xf32, #tpu.memory_space<vmem_shared>> -> memref<128x128xf32, #tpu.memory_space<vmem_shared>>
      %dma_start3A_40 = arith.constant 0 : i32
      %dma_start3A_41 = tpu.memref_slice %arg11[%add3A_13, %dma_start3A_40] : memref<10240x128xf32, #tpu.memory_space<vmem_shared>> -> memref<128x128xf32, #tpu.memory_space<vmem_shared>>
      tpu.enqueue_dma source(%arg10 : memref<128x128xf32, #tpu.memory_space<vmem>>) target(%dma_start3A_41 : memref<128x128xf32, #tpu.memory_space<vmem_shared>>) target_semaphore(%run_scoped3A : memref<!tpu.dma_semaphore, #tpu.memory_space<semaphore_mem>>)
      %dma_wait3A = arith.constant 0 : i32
      %dma_wait3A_42 = tpu.memref_slice %arg11[%add3A_13, %dma_wait3A] : memref<10240x128xf32, #tpu.memory_space<vmem_shared>> -> memref<128x128xf32, #tpu.memory_space<vmem_shared>>
      %dma_wait3A_43 = arith.constant 0 : i32
      %dma_wait3A_44 = tpu.memref_slice %arg11[%add3A_13, %dma_wait3A_43] : memref<10240x128xf32, #tpu.memory_space<vmem_shared>> -> memref<128x128xf32, #tpu.memory_space<vmem_shared>>
      tpu.wait_dma2 semaphore(%run_scoped3A : memref<!tpu.dma_semaphore, #tpu.memory_space<semaphore_mem>>) src(%arg10 : memref<128x128xf32, #tpu.memory_space<vmem>>) dst(%dma_wait3A_44 : memref<128x128xf32, #tpu.memory_space<vmem_shared>>)
      tpu.yield
    }) : () -> ()
    %mul3A_14 = arith.constant 640 : i32
    %mul3A_15 = arith.muli %arg1, %mul3A_14 : i32
    %add3A_16 = arith.constant 256 : i32
    %add3A_17 = arith.addi %mul3A_15, %add3A_16 : i32
    "tpu.region"() ({
      %run_scoped3A = tpu.sem_alloc : memref<!tpu.dma_semaphore, #tpu.memory_space<semaphore_mem>>
      %dma_start3A = arith.constant 0 : i32
      %dma_start3A_39 = tpu.memref_slice %arg11[%add3A_17, %dma_start3A] : memref<10240x128xf32, #tpu.memory_space<vmem_shared>> -> memref<128x128xf32, #tpu.memory_space<vmem_shared>>
      %dma_start3A_40 = arith.constant 0 : i32
      %dma_start3A_41 = tpu.memref_slice %arg11[%add3A_17, %dma_start3A_40] : memref<10240x128xf32, #tpu.memory_space<vmem_shared>> -> memref<128x128xf32, #tpu.memory_space<vmem_shared>>
      tpu.enqueue_dma source(%arg10 : memref<128x128xf32, #tpu.memory_space<vmem>>) target(%dma_start3A_41 : memref<128x128xf32, #tpu.memory_space<vmem_shared>>) target_semaphore(%run_scoped3A : memref<!tpu.dma_semaphore, #tpu.memory_space<semaphore_mem>>)
      %dma_wait3A = arith.constant 0 : i32
      %dma_wait3A_42 = tpu.memref_slice %arg11[%add3A_17, %dma_wait3A] : memref<10240x128xf32, #tpu.memory_space<vmem_shared>> -> memref<128x128xf32, #tpu.memory_space<vmem_shared>>
      %dma_wait3A_43 = arith.constant 0 : i32
      %dma_wait3A_44 = tpu.memref_slice %arg11[%add3A_17, %dma_wait3A_43] : memref<10240x128xf32, #tpu.memory_space<vmem_shared>> -> memref<128x128xf32, #tpu.memory_space<vmem_shared>>
      tpu.wait_dma2 semaphore(%run_scoped3A : memref<!tpu.dma_semaphore, #tpu.memory_space<semaphore_mem>>) src(%arg10 : memref<128x128xf32, #tpu.memory_space<vmem>>) dst(%dma_wait3A_44 : memref<128x128xf32, #tpu.memory_space<vmem_shared>>)
      tpu.yield
    }) : () -> ()
    %mul3A_18 = arith.constant 640 : i32
    %mul3A_19 = arith.muli %arg1, %mul3A_18 : i32
    %add3A_20 = arith.constant 384 : i32
    %add3A_21 = arith.addi %mul3A_19, %add3A_20 : i32
    "tpu.region"() ({
      %run_scoped3A = tpu.sem_alloc : memref<!tpu.dma_semaphore, #tpu.memory_space<semaphore_mem>>
      %dma_start3A = arith.constant 0 : i32
      %dma_start3A_39 = tpu.memref_slice %arg11[%add3A_21, %dma_start3A] : memref<10240x128xf32, #tpu.memory_space<vmem_shared>> -> memref<128x128xf32, #tpu.memory_space<vmem_shared>>
      %dma_start3A_40 = arith.constant 0 : i32
      %dma_start3A_41 = tpu.memref_slice %arg11[%add3A_21, %dma_start3A_40] : memref<10240x128xf32, #tpu.memory_space<vmem_shared>> -> memref<128x128xf32, #tpu.memory_space<vmem_shared>>
      tpu.enqueue_dma source(%arg10 : memref<128x128xf32, #tpu.memory_space<vmem>>) target(%dma_start3A_41 : memref<128x128xf32, #tpu.memory_space<vmem_shared>>) target_semaphore(%run_scoped3A : memref<!tpu.dma_semaphore, #tpu.memory_space<semaphore_mem>>)
      %dma_wait3A = arith.constant 0 : i32
      %dma_wait3A_42 = tpu.memref_slice %arg11[%add3A_21, %dma_wait3A] : memref<10240x128xf32, #tpu.memory_space<vmem_shared>> -> memref<128x128xf32, #tpu.memory_space<vmem_shared>>
      %dma_wait3A_43 = arith.constant 0 : i32
      %dma_wait3A_44 = tpu.memref_slice %arg11[%add3A_21, %dma_wait3A_43] : memref<10240x128xf32, #tpu.memory_space<vmem_shared>> -> memref<128x128xf32, #tpu.memory_space<vmem_shared>>
      tpu.wait_dma2 semaphore(%run_scoped3A : memref<!tpu.dma_semaphore, #tpu.memory_space<semaphore_mem>>) src(%arg10 : memref<128x128xf32, #tpu.memory_space<vmem>>) dst(%dma_wait3A_44 : memref<128x128xf32, #tpu.memory_space<vmem_shared>>)
      tpu.yield
    }) : () -> ()
    %mul3A_22 = arith.constant 640 : i32
    %mul3A_23 = arith.muli %arg1, %mul3A_22 : i32
    %add3A_24 = arith.constant 512 : i32
    %add3A_25 = arith.addi %mul3A_23, %add3A_24 : i32
    "tpu.region"() ({
      %run_scoped3A = tpu.sem_alloc : memref<!tpu.dma_semaphore, #tpu.memory_space<semaphore_mem>>
      %dma_start3A = arith.constant 0 : i32
      %dma_start3A_39 = tpu.memref_slice %arg11[%add3A_25, %dma_start3A] : memref<10240x128xf32, #tpu.memory_space<vmem_shared>> -> memref<128x128xf32, #tpu.memory_space<vmem_shared>>
      %dma_start3A_40 = arith.constant 0 : i32
      %dma_start3A_41 = tpu.memref_slice %arg11[%add3A_25, %dma_start3A_40] : memref<10240x128xf32, #tpu.memory_space<vmem_shared>> -> memref<128x128xf32, #tpu.memory_space<vmem_shared>>
      tpu.enqueue_dma source(%arg10 : memref<128x128xf32, #tpu.memory_space<vmem>>) target(%dma_start3A_41 : memref<128x128xf32, #tpu.memory_space<vmem_shared>>) target_semaphore(%run_scoped3A : memref<!tpu.dma_semaphore, #tpu.memory_space<semaphore_mem>>)
      %dma_wait3A = arith.constant 0 : i32
      %dma_wait3A_42 = tpu.memref_slice %arg11[%add3A_25, %dma_wait3A] : memref<10240x128xf32, #tpu.memory_space<vmem_shared>> -> memref<128x128xf32, #tpu.memory_space<vmem_shared>>
      %dma_wait3A_43 = arith.constant 0 : i32
      %dma_wait3A_44 = tpu.memref_slice %arg11[%add3A_25, %dma_wait3A_43] : memref<10240x128xf32, #tpu.memory_space<vmem_shared>> -> memref<128x128xf32, #tpu.memory_space<vmem_shared>>
      tpu.wait_dma2 semaphore(%run_scoped3A : memref<!tpu.dma_semaphore, #tpu.memory_space<semaphore_mem>>) src(%arg10 : memref<128x128xf32, #tpu.memory_space<vmem>>) dst(%dma_wait3A_44 : memref<128x128xf32, #tpu.memory_space<vmem_shared>>)
      tpu.yield
    }) : () -> ()
    %barrier3A = arith.constant 0 : index
    tpu.barrier barrier_id(%barrier3A)
    "tpu.region"() ({
      %run_scoped3A = tpu.sem_alloc : memref<!tpu.dma_semaphore, #tpu.memory_space<semaphore_mem>>
      %dma_start3A = arith.constant 0 : i32
      %dma_start3A_39 = arith.constant 0 : i32
      %dma_start3A_40 = tpu.memref_slice %arg3[%add3A, %dma_start3A, %dma_start3A_39] : memref<32x79x128xi32, #tpu.memory_space<hbm>> -> memref<1x79x128xi32, #tpu.memory_space<hbm>>
      %dma_start3A_41 = tpu.memref_squeeze %dma_start3A_40 : memref<1x79x128xi32, #tpu.memory_space<hbm>> -> memref<79x128xi32, #tpu.memory_space<hbm>>
      %dma_start3A_42 = arith.constant 0 : i32
      %dma_start3A_43 = arith.constant 0 : i32
      %dma_start3A_44 = tpu.memref_slice %arg3[%add3A, %dma_start3A_42, %dma_start3A_43] : memref<32x79x128xi32, #tpu.memory_space<hbm>> -> memref<1x79x128xi32, #tpu.memory_space<hbm>>
      %dma_start3A_45 = tpu.memref_squeeze %dma_start3A_44 : memref<1x79x128xi32, #tpu.memory_space<hbm>> -> memref<79x128xi32, #tpu.memory_space<hbm>>
      tpu.enqueue_dma source(%dma_start3A_45 : memref<79x128xi32, #tpu.memory_space<hbm>>) target(%arg7 : memref<79x128xi32, #tpu.memory_space<vmem>>) target_semaphore(%run_scoped3A : memref<!tpu.dma_semaphore, #tpu.memory_space<semaphore_mem>>)
      %dma_wait3A = arith.constant 0 : i32
      %dma_wait3A_46 = arith.constant 0 : i32
      %dma_wait3A_47 = tpu.memref_slice %arg3[%add3A, %dma_wait3A, %dma_wait3A_46] : memref<32x79x128xi32, #tpu.memory_space<hbm>> -> memref<1x79x128xi32, #tpu.memory_space<hbm>>
      %dma_wait3A_48 = tpu.memref_squeeze %dma_wait3A_47 : memref<1x79x128xi32, #tpu.memory_space<hbm>> -> memref<79x128xi32, #tpu.memory_space<hbm>>
      %dma_wait3A_49 = arith.constant 0 : i32
      %dma_wait3A_50 = arith.constant 0 : i32
      %dma_wait3A_51 = tpu.memref_slice %arg3[%add3A, %dma_wait3A_49, %dma_wait3A_50] : memref<32x79x128xi32, #tpu.memory_space<hbm>> -> memref<1x79x128xi32, #tpu.memory_space<hbm>>
      %dma_wait3A_52 = tpu.memref_squeeze %dma_wait3A_51 : memref<1x79x128xi32, #tpu.memory_space<hbm>> -> memref<79x128xi32, #tpu.memory_space<hbm>>
      tpu.wait_dma2 semaphore(%run_scoped3A : memref<!tpu.dma_semaphore, #tpu.memory_space<semaphore_mem>>) src(%dma_wait3A_52 : memref<79x128xi32, #tpu.memory_space<hbm>>) dst(%arg7 : memref<79x128xi32, #tpu.memory_space<vmem>>)
      tpu.yield
    }) : () -> ()
    "tpu.region"() ({
      %run_scoped3A = tpu.sem_alloc : memref<!tpu.dma_semaphore, #tpu.memory_space<semaphore_mem>>
      %dma_start3A = arith.constant 0 : i32
      %dma_start3A_39 = arith.constant 0 : i32
      %dma_start3A_40 = tpu.memref_slice %arg4[%add3A, %dma_start3A, %dma_start3A_39] : memref<32x79x128xi32, #tpu.memory_space<hbm>> -> memref<1x79x128xi32, #tpu.memory_space<hbm>>
      %dma_start3A_41 = tpu.memref_squeeze %dma_start3A_40 : memref<1x79x128xi32, #tpu.memory_space<hbm>> -> memref<79x128xi32, #tpu.memory_space<hbm>>
      %dma_start3A_42 = arith.constant 0 : i32
      %dma_start3A_43 = arith.constant 0 : i32
      %dma_start3A_44 = tpu.memref_slice %arg4[%add3A, %dma_start3A_42, %dma_start3A_43] : memref<32x79x128xi32, #tpu.memory_space<hbm>> -> memref<1x79x128xi32, #tpu.memory_space<hbm>>
      %dma_start3A_45 = tpu.memref_squeeze %dma_start3A_44 : memref<1x79x128xi32, #tpu.memory_space<hbm>> -> memref<79x128xi32, #tpu.memory_space<hbm>>
      tpu.enqueue_dma source(%dma_start3A_45 : memref<79x128xi32, #tpu.memory_space<hbm>>) target(%arg8 : memref<79x128xi32, #tpu.memory_space<vmem>>) target_semaphore(%run_scoped3A : memref<!tpu.dma_semaphore, #tpu.memory_space<semaphore_mem>>)
      %dma_wait3A = arith.constant 0 : i32
      %dma_wait3A_46 = arith.constant 0 : i32
      %dma_wait3A_47 = tpu.memref_slice %arg4[%add3A, %dma_wait3A, %dma_wait3A_46] : memref<32x79x128xi32, #tpu.memory_space<hbm>> -> memref<1x79x128xi32, #tpu.memory_space<hbm>>
      %dma_wait3A_48 = tpu.memref_squeeze %dma_wait3A_47 : memref<1x79x128xi32, #tpu.memory_space<hbm>> -> memref<79x128xi32, #tpu.memory_space<hbm>>
      %dma_wait3A_49 = arith.constant 0 : i32
      %dma_wait3A_50 = arith.constant 0 : i32
      %dma_wait3A_51 = tpu.memref_slice %arg4[%add3A, %dma_wait3A_49, %dma_wait3A_50] : memref<32x79x128xi32, #tpu.memory_space<hbm>> -> memref<1x79x128xi32, #tpu.memory_space<hbm>>
      %dma_wait3A_52 = tpu.memref_squeeze %dma_wait3A_51 : memref<1x79x128xi32, #tpu.memory_space<hbm>> -> memref<79x128xi32, #tpu.memory_space<hbm>>
      tpu.wait_dma2 semaphore(%run_scoped3A : memref<!tpu.dma_semaphore, #tpu.memory_space<semaphore_mem>>) src(%dma_wait3A_52 : memref<79x128xi32, #tpu.memory_space<hbm>>) dst(%arg8 : memref<79x128xi32, #tpu.memory_space<vmem>>)
      tpu.yield
    }) : () -> ()
    %mul3A_26 = arith.constant 10112 : i32
    %mul3A_27 = arith.muli %add3A, %mul3A_26 : i32
    "tpu.region"() ({
      %run_scoped3A = tpu.sem_alloc : memref<!tpu.dma_semaphore, #tpu.memory_space<semaphore_mem>>
      %dma_start3A = tpu.memref_slice %arg5[%mul3A_27] : memref<323584xf32, #tpu.memory_space<hbm>> -> memref<10112xf32, #tpu.memory_space<hbm>>
      %dma_start3A_39 = tpu.memref_slice %arg5[%mul3A_27] : memref<323584xf32, #tpu.memory_space<hbm>> -> memref<10112xf32, #tpu.memory_space<hbm>>
      tpu.enqueue_dma source(%dma_start3A_39 : memref<10112xf32, #tpu.memory_space<hbm>>) target(%arg9 : memref<10112xf32, #tpu.memory_space<vmem>>) target_semaphore(%run_scoped3A : memref<!tpu.dma_semaphore, #tpu.memory_space<semaphore_mem>>)
      %dma_wait3A = tpu.memref_slice %arg5[%mul3A_27] : memref<323584xf32, #tpu.memory_space<hbm>> -> memref<10112xf32, #tpu.memory_space<hbm>>
      %dma_wait3A_40 = tpu.memref_slice %arg5[%mul3A_27] : memref<323584xf32, #tpu.memory_space<hbm>> -> memref<10112xf32, #tpu.memory_space<hbm>>
      tpu.wait_dma2 semaphore(%run_scoped3A : memref<!tpu.dma_semaphore, #tpu.memory_space<semaphore_mem>>) src(%dma_wait3A_40 : memref<10112xf32, #tpu.memory_space<hbm>>) dst(%arg9 : memref<10112xf32, #tpu.memory_space<vmem>>)
      tpu.yield
    }) : () -> ()
    %scan3A_28 = arith.constant 0 : i32
    %scan3A_29 = arith.constant 0 : i32
    %scan3A_30 = arith.constant 79 : i32
    %scan3A_31 = arith.addi %scan3A_29, %scan3A_30 : i32
    %scan3A_32 = arith.constant 1 : i32
    scf.for %scan3A_39 = %scan3A_29 to %scan3A_31 step %scan3A_32  : i32 {
      "tpu.region"() ({
        %run_scoped3A = tpu.sem_alloc : memref<!tpu.dma_semaphore, #tpu.memory_space<semaphore_mem>>
        %dma_start3A = arith.constant 0 : i32
        %dma_start3A_46 = tpu.memref_slice %arg7[%scan3A_39, %dma_start3A] : memref<79x128xi32, #tpu.memory_space<vmem>> -> memref<1x128xi32, #tpu.memory_space<vmem>>
        %dma_start3A_47 = tpu.memref_squeeze %dma_start3A_46 : memref<1x128xi32, #tpu.memory_space<vmem>> -> memref<128xi32, #tpu.memory_space<vmem>>
        %dma_start3A_48 = arith.constant 0 : i32
        %dma_start3A_49 = arith.constant 0 : i32
        %dma_start3A_50 = tpu.memref_slice %arg2[%dma_start3A_48, %dma_start3A_49] : memref<10240x128xf32, #tpu.memory_space<hbm>> -> memref<10240x128xf32, #tpu.memory_space<hbm>>
        tpu.enqueue_indirect_dma source(%dma_start3A_50 : memref<10240x128xf32, #tpu.memory_space<hbm>>) target(%arg10 : memref<128x128xf32, #tpu.memory_space<vmem>>) offsets(%dma_start3A_47 : memref<128xi32, #tpu.memory_space<vmem>>) semaphore(%run_scoped3A : memref<!tpu.dma_semaphore, #tpu.memory_space<semaphore_mem>>)
        %dma_wait3A = arith.constant 0 : i32
        %dma_wait3A_51 = tpu.memref_slice %arg7[%scan3A_39, %dma_wait3A] : memref<79x128xi32, #tpu.memory_space<vmem>> -> memref<1x128xi32, #tpu.memory_space<vmem>>
        %dma_wait3A_52 = tpu.memref_squeeze %dma_wait3A_51 : memref<1x128xi32, #tpu.memory_space<vmem>> -> memref<128xi32, #tpu.memory_space<vmem>>
        %dma_wait3A_53 = arith.constant 0 : i32
        %dma_wait3A_54 = arith.constant 0 : i32
        %dma_wait3A_55 = tpu.memref_slice %arg2[%dma_wait3A_53, %dma_wait3A_54] : memref<10240x128xf32, #tpu.memory_space<hbm>> -> memref<10240x128xf32, #tpu.memory_space<hbm>>
        tpu.wait_indirect_dma semaphore(%run_scoped3A : memref<!tpu.dma_semaphore, #tpu.memory_space<semaphore_mem>>) src(%dma_wait3A_55 : memref<10240x128xf32, #tpu.memory_space<hbm>>) dst(%arg10 : memref<128x128xf32, #tpu.memory_space<vmem>>)
        tpu.yield
      }) : () -> ()
      %scan3A_40 = arith.constant 0 : i32
      %scan3A_41 = arith.constant 0 : i32
      %scan3A_42 = arith.constant 128 : i32
      %scan3A_43 = arith.addi %scan3A_41, %scan3A_42 : i32
      %scan3A_44 = arith.constant 1 : i32
      scf.for %scan3A_46 = %scan3A_41 to %scan3A_43 step %scan3A_44  : i32 {
        %mul3A_47 = arith.constant 128 : i32
        %mul3A_48 = arith.muli %scan3A_39, %mul3A_47 : i32
        %add3A_49 = arith.addi %mul3A_48, %scan3A_46 : i32
        %broadcast_in_dim3A = vector.broadcast %add3A_49 : i32 to vector<16xi32>
        %gather3A = tpu.vector_load_idx %arg9[%broadcast_in_dim3A] : memref<10112xf32, #tpu.memory_space<vmem>>[vector<16xi32>], vector<16xf32>,
        %get3A = arith.index_cast %scan3A_46 : i32 to index
        %get3A_50 = arith.constant 0 : index
        %get3A_51 = tpu.vector_load %arg10[%get3A, %get3A_50] {strides = array<i32>} : memref<128x128xf32, #tpu.memory_space<vmem>>, vector<16xf32>,
        %mul3A_52 = arith.mulf %get3A_51, %gather3A : vector<16xf32>
        %swap3A = arith.index_cast %scan3A_46 : i32 to index
        %swap3A_53 = arith.constant 0 : index
        %swap3A_54 = tpu.vector_load %arg10[%swap3A, %swap3A_53] {strides = array<i32>} : memref<128x128xf32, #tpu.memory_space<vmem>>, vector<16xf32>,
        tpu.vector_store %arg10[%swap3A, %swap3A_53], %mul3A_52 {strides = array<i32>} : memref<128x128xf32, #tpu.memory_space<vmem>>, vector<16xf32>,
        %get3A_55 = arith.index_cast %scan3A_46 : i32 to index
        %get3A_56 = arith.constant 16 : index
        %get3A_57 = tpu.vector_load %arg10[%get3A_55, %get3A_56] {strides = array<i32>} : memref<128x128xf32, #tpu.memory_space<vmem>>, vector<16xf32>,
        %mul3A_58 = arith.mulf %get3A_57, %gather3A : vector<16xf32>
        %swap3A_59 = arith.index_cast %scan3A_46 : i32 to index
        %swap3A_60 = arith.constant 16 : index
        %swap3A_61 = tpu.vector_load %arg10[%swap3A_59, %swap3A_60] {strides = array<i32>} : memref<128x128xf32, #tpu.memory_space<vmem>>, vector<16xf32>,
        tpu.vector_store %arg10[%swap3A_59, %swap3A_60], %mul3A_58 {strides = array<i32>} : memref<128x128xf32, #tpu.memory_space<vmem>>, vector<16xf32>,
        %get3A_62 = arith.index_cast %scan3A_46 : i32 to index
        %get3A_63 = arith.constant 32 : index
        %get3A_64 = tpu.vector_load %arg10[%get3A_62, %get3A_63] {strides = array<i32>} : memref<128x128xf32, #tpu.memory_space<vmem>>, vector<16xf32>,
        %mul3A_65 = arith.mulf %get3A_64, %gather3A : vector<16xf32>
        %swap3A_66 = arith.index_cast %scan3A_46 : i32 to index
        %swap3A_67 = arith.constant 32 : index
        %swap3A_68 = tpu.vector_load %arg10[%swap3A_66, %swap3A_67] {strides = array<i32>} : memref<128x128xf32, #tpu.memory_space<vmem>>, vector<16xf32>,
        tpu.vector_store %arg10[%swap3A_66, %swap3A_67], %mul3A_65 {strides = array<i32>} : memref<128x128xf32, #tpu.memory_space<vmem>>, vector<16xf32>,
        %get3A_69 = arith.index_cast %scan3A_46 : i32 to index
        %get3A_70 = arith.constant 48 : index
        %get3A_71 = tpu.vector_load %arg10[%get3A_69, %get3A_70] {strides = array<i32>} : memref<128x128xf32, #tpu.memory_space<vmem>>, vector<16xf32>,
        %mul3A_72 = arith.mulf %get3A_71, %gather3A : vector<16xf32>
        %swap3A_73 = arith.index_cast %scan3A_46 : i32 to index
        %swap3A_74 = arith.constant 48 : index
        %swap3A_75 = tpu.vector_load %arg10[%swap3A_73, %swap3A_74] {strides = array<i32>} : memref<128x128xf32, #tpu.memory_space<vmem>>, vector<16xf32>,
        tpu.vector_store %arg10[%swap3A_73, %swap3A_74], %mul3A_72 {strides = array<i32>} : memref<128x128xf32, #tpu.memory_space<vmem>>, vector<16xf32>,
        %get3A_76 = arith.index_cast %scan3A_46 : i32 to index
        %get3A_77 = arith.constant 64 : index
        %get3A_78 = tpu.vector_load %arg10[%get3A_76, %get3A_77] {strides = array<i32>} : memref<128x128xf32, #tpu.memory_space<vmem>>, vector<16xf32>,
        %mul3A_79 = arith.mulf %get3A_78, %gather3A : vector<16xf32>
        %swap3A_80 = arith.index_cast %scan3A_46 : i32 to index
        %swap3A_81 = arith.constant 64 : index
        %swap3A_82 = tpu.vector_load %arg10[%swap3A_80, %swap3A_81] {strides = array<i32>} : memref<128x128xf32, #tpu.memory_space<vmem>>, vector<16xf32>,
        tpu.vector_store %arg10[%swap3A_80, %swap3A_81], %mul3A_79 {strides = array<i32>} : memref<128x128xf32, #tpu.memory_space<vmem>>, vector<16xf32>,
        %get3A_83 = arith.index_cast %scan3A_46 : i32 to index
        %get3A_84 = arith.constant 80 : index
        %get3A_85 = tpu.vector_load %arg10[%get3A_83, %get3A_84] {strides = array<i32>} : memref<128x128xf32, #tpu.memory_space<vmem>>, vector<16xf32>,
        %mul3A_86 = arith.mulf %get3A_85, %gather3A : vector<16xf32>
        %swap3A_87 = arith.index_cast %scan3A_46 : i32 to index
        %swap3A_88 = arith.constant 80 : index
        %swap3A_89 = tpu.vector_load %arg10[%swap3A_87, %swap3A_88] {strides = array<i32>} : memref<128x128xf32, #tpu.memory_space<vmem>>, vector<16xf32>,
        tpu.vector_store %arg10[%swap3A_87, %swap3A_88], %mul3A_86 {strides = array<i32>} : memref<128x128xf32, #tpu.memory_space<vmem>>, vector<16xf32>,
        %get3A_90 = arith.index_cast %scan3A_46 : i32 to index
        %get3A_91 = arith.constant 96 : index
        %get3A_92 = tpu.vector_load %arg10[%get3A_90, %get3A_91] {strides = array<i32>} : memref<128x128xf32, #tpu.memory_space<vmem>>, vector<16xf32>,
        %mul3A_93 = arith.mulf %get3A_92, %gather3A : vector<16xf32>
        %swap3A_94 = arith.index_cast %scan3A_46 : i32 to index
        %swap3A_95 = arith.constant 96 : index
        %swap3A_96 = tpu.vector_load %arg10[%swap3A_94, %swap3A_95] {strides = array<i32>} : memref<128x128xf32, #tpu.memory_space<vmem>>, vector<16xf32>,
        tpu.vector_store %arg10[%swap3A_94, %swap3A_95], %mul3A_93 {strides = array<i32>} : memref<128x128xf32, #tpu.memory_space<vmem>>, vector<16xf32>,
        %get3A_97 = arith.index_cast %scan3A_46 : i32 to index
        %get3A_98 = arith.constant 112 : index
        %get3A_99 = tpu.vector_load %arg10[%get3A_97, %get3A_98] {strides = array<i32>} : memref<128x128xf32, #tpu.memory_space<vmem>>, vector<16xf32>,
        %mul3A_100 = arith.mulf %get3A_99, %gather3A : vector<16xf32>
        %swap3A_101 = arith.index_cast %scan3A_46 : i32 to index
        %swap3A_102 = arith.constant 112 : index
        %swap3A_103 = tpu.vector_load %arg10[%swap3A_101, %swap3A_102] {strides = array<i32>} : memref<128x128xf32, #tpu.memory_space<vmem>>, vector<16xf32>,
        tpu.vector_store %arg10[%swap3A_101, %swap3A_102], %mul3A_100 {strides = array<i32>} : memref<128x128xf32, #tpu.memory_space<vmem>>, vector<16xf32>,
      }
      %scan3A_45 = arith.constant 128 : i32
      "tpu.region"() ({
        %run_scoped3A = tpu.sem_alloc : memref<!tpu.dma_semaphore, #tpu.memory_space<semaphore_mem>>
        %dma_start3A = arith.constant 0 : i32
        %dma_start3A_46 = tpu.memref_slice %arg8[%scan3A_39, %dma_start3A] : memref<79x128xi32, #tpu.memory_space<vmem>> -> memref<1x128xi32, #tpu.memory_space<vmem>>
        %dma_start3A_47 = tpu.memref_squeeze %dma_start3A_46 : memref<1x128xi32, #tpu.memory_space<vmem>> -> memref<128xi32, #tpu.memory_space<vmem>>
        %dma_start3A_48 = arith.constant 0 : i32
        %dma_start3A_49 = arith.constant 0 : i32
        %dma_start3A_50 = tpu.memref_slice %arg11[%dma_start3A_48, %dma_start3A_49] : memref<10240x128xf32, #tpu.memory_space<vmem_shared>> -> memref<10240x128xf32, #tpu.memory_space<vmem_shared>>
        tpu.enqueue_indirect_dma source(%arg10 : memref<128x128xf32, #tpu.memory_space<vmem>>) target(%dma_start3A_50 : memref<10240x128xf32, #tpu.memory_space<vmem_shared>>) offsets(%dma_start3A_47 : memref<128xi32, #tpu.memory_space<vmem>>) semaphore(%run_scoped3A : memref<!tpu.dma_semaphore, #tpu.memory_space<semaphore_mem>>) {add = true}
        %dma_wait3A = arith.constant 0 : i32
        %dma_wait3A_51 = tpu.memref_slice %arg8[%scan3A_39, %dma_wait3A] : memref<79x128xi32, #tpu.memory_space<vmem>> -> memref<1x128xi32, #tpu.memory_space<vmem>>
        %dma_wait3A_52 = tpu.memref_squeeze %dma_wait3A_51 : memref<1x128xi32, #tpu.memory_space<vmem>> -> memref<128xi32, #tpu.memory_space<vmem>>
        %dma_wait3A_53 = arith.constant 0 : i32
        %dma_wait3A_54 = arith.constant 0 : i32
        %dma_wait3A_55 = tpu.memref_slice %arg11[%dma_wait3A_53, %dma_wait3A_54] : memref<10240x128xf32, #tpu.memory_space<vmem_shared>> -> memref<10240x128xf32, #tpu.memory_space<vmem_shared>>
        tpu.wait_indirect_dma semaphore(%run_scoped3A : memref<!tpu.dma_semaphore, #tpu.memory_space<semaphore_mem>>) src(%arg10 : memref<128x128xf32, #tpu.memory_space<vmem>>) dst(%dma_wait3A_55 : memref<10240x128xf32, #tpu.memory_space<vmem_shared>>)
        tpu.yield
      }) : () -> ()
    }
    %scan3A_33 = arith.constant 79 : i32
    %barrier3A_34 = arith.constant 0 : index
    tpu.barrier barrier_id(%barrier3A_34)
    %mul3A_35 = arith.constant 640 : i32
    %mul3A_36 = arith.muli %arg1, %mul3A_35 : i32
    %mul3A_37 = arith.constant 640 : i32
    %mul3A_38 = arith.muli %arg1, %mul3A_37 : i32
    "tpu.region"() ({
      %run_scoped3A = tpu.sem_alloc : memref<!tpu.dma_semaphore, #tpu.memory_space<semaphore_mem>>
      %dma_start3A = arith.constant 0 : i32
      %dma_start3A_39 = tpu.memref_slice %arg6[%arg0, %mul3A_38, %dma_start3A] : memref<2x10240x128xf32, #tpu.memory_space<hbm>> -> memref<1x640x128xf32, #tpu.memory_space<hbm>>
      %dma_start3A_40 = tpu.memref_squeeze %dma_start3A_39 : memref<1x640x128xf32, #tpu.memory_space<hbm>> -> memref<640x128xf32, #tpu.memory_space<hbm>>
      %dma_start3A_41 = arith.constant 0 : i32
      %dma_start3A_42 = tpu.memref_slice %arg11[%mul3A_36, %dma_start3A_41] : memref<10240x128xf32, #tpu.memory_space<vmem_shared>> -> memref<640x128xf32, #tpu.memory_space<vmem_shared>>
      tpu.enqueue_dma source(%dma_start3A_42 : memref<640x128xf32, #tpu.memory_space<vmem_shared>>) target(%dma_start3A_40 : memref<640x128xf32, #tpu.memory_space<hbm>>) target_semaphore(%run_scoped3A : memref<!tpu.dma_semaphore, #tpu.memory_space<semaphore_mem>>)
      %dma_wait3A = arith.constant 0 : i32
      %dma_wait3A_43 = tpu.memref_slice %arg6[%arg0, %mul3A_38, %dma_wait3A] : memref<2x10240x128xf32, #tpu.memory_space<hbm>> -> memref<1x640x128xf32, #tpu.memory_space<hbm>>
      %dma_wait3A_44 = tpu.memref_squeeze %dma_wait3A_43 : memref<1x640x128xf32, #tpu.memory_space<hbm>> -> memref<640x128xf32, #tpu.memory_space<hbm>>
      %dma_wait3A_45 = arith.constant 0 : i32
      %dma_wait3A_46 = tpu.memref_slice %arg11[%mul3A_36, %dma_wait3A_45] : memref<10240x128xf32, #tpu.memory_space<vmem_shared>> -> memref<640x128xf32, #tpu.memory_space<vmem_shared>>
      tpu.wait_dma2 semaphore(%run_scoped3A : memref<!tpu.dma_semaphore, #tpu.memory_space<semaphore_mem>>) src(%dma_wait3A_46 : memref<640x128xf32, #tpu.memory_space<vmem_shared>>) dst(%dma_wait3A_44 : memref<640x128xf32, #tpu.memory_space<hbm>>)
      tpu.yield
    }) : () -> ()
    return
  }
}

#map = affine_map<(d0, d1) -> (0)>
module attributes {stable_mosaic.version = 14 : i64} {
  func.func @k(%arg0: i32, %arg1: i32, %arg2: memref<323584xi32, #tpu.memory_space<hbm>>, %arg3: memref<323584xi32, #tpu.memory_space<hbm>>, %arg4: memref<10000xf32, #tpu.memory_space<hbm>>, %arg5: memref<10000xf32, #tpu.memory_space<hbm>>, %arg6: memref<323584xf32, #tpu.memory_space<hbm>>, %arg7: memref<320000xf32, #tpu.memory_space<hbm>>, %arg8: memref<10112xi32, #tpu.memory_space<vmem>>, %arg9: memref<10112xi32, #tpu.memory_space<vmem>>, %arg10: memref<10000xf32, #tpu.memory_space<vmem>>, %arg11: memref<10000xf32, #tpu.memory_space<vmem>>, %arg12: memref<10000xf32, #tpu.memory_space<vmem>>, %arg13: memref<10112xf32, #tpu.memory_space<vmem>>) attributes {dimension_semantics = [#tpu.dimension_semantics<core_parallel>, #tpu.dimension_semantics<subcore_parallel>], iteration_bounds = array<i64: 2, 16>, scalar_prefetch = 0 : i64, scratch_operands = 6 : i64, tpu.core_type = #tpu.core_type<sc_vector_subcore>, window_params = [{transform_indices = #map}, {transform_indices = #map}, {transform_indices = #map}, {transform_indices = #map}, {transform_indices = #map}, {transform_indices = #map}]} {
    %mul3A = arith.constant 16 : i32
    %mul3A_0 = arith.muli %arg0, %mul3A : i32
    %add3A = arith.addi %mul3A_0, %arg1 : i32
    %mul3A_1 = arith.constant 10112 : i32
    %mul3A_2 = arith.muli %add3A, %mul3A_1 : i32
    "tpu.region"() ({
      %run_scoped3A = tpu.sem_alloc : memref<!tpu.dma_semaphore, #tpu.memory_space<semaphore_mem>>
      %dma_start3A = tpu.memref_slice %arg2[%mul3A_2] : memref<323584xi32, #tpu.memory_space<hbm>> -> memref<10112xi32, #tpu.memory_space<hbm>>
      %dma_start3A_16 = tpu.memref_slice %arg2[%mul3A_2] : memref<323584xi32, #tpu.memory_space<hbm>> -> memref<10112xi32, #tpu.memory_space<hbm>>
      tpu.enqueue_dma source(%dma_start3A_16 : memref<10112xi32, #tpu.memory_space<hbm>>) target(%arg8 : memref<10112xi32, #tpu.memory_space<vmem>>) target_semaphore(%run_scoped3A : memref<!tpu.dma_semaphore, #tpu.memory_space<semaphore_mem>>)
      %dma_wait3A = tpu.memref_slice %arg2[%mul3A_2] : memref<323584xi32, #tpu.memory_space<hbm>> -> memref<10112xi32, #tpu.memory_space<hbm>>
      %dma_wait3A_17 = tpu.memref_slice %arg2[%mul3A_2] : memref<323584xi32, #tpu.memory_space<hbm>> -> memref<10112xi32, #tpu.memory_space<hbm>>
      tpu.wait_dma2 semaphore(%run_scoped3A : memref<!tpu.dma_semaphore, #tpu.memory_space<semaphore_mem>>) src(%dma_wait3A_17 : memref<10112xi32, #tpu.memory_space<hbm>>) dst(%arg8 : memref<10112xi32, #tpu.memory_space<vmem>>)
      tpu.yield
    }) : () -> ()
    "tpu.region"() ({
      %run_scoped3A = tpu.sem_alloc : memref<!tpu.dma_semaphore, #tpu.memory_space<semaphore_mem>>
      %dma_start3A = tpu.memref_slice %arg3[%mul3A_2] : memref<323584xi32, #tpu.memory_space<hbm>> -> memref<10112xi32, #tpu.memory_space<hbm>>
      %dma_start3A_16 = tpu.memref_slice %arg3[%mul3A_2] : memref<323584xi32, #tpu.memory_space<hbm>> -> memref<10112xi32, #tpu.memory_space<hbm>>
      tpu.enqueue_dma source(%dma_start3A_16 : memref<10112xi32, #tpu.memory_space<hbm>>) target(%arg9 : memref<10112xi32, #tpu.memory_space<vmem>>) target_semaphore(%run_scoped3A : memref<!tpu.dma_semaphore, #tpu.memory_space<semaphore_mem>>)
      %dma_wait3A = tpu.memref_slice %arg3[%mul3A_2] : memref<323584xi32, #tpu.memory_space<hbm>> -> memref<10112xi32, #tpu.memory_space<hbm>>
      %dma_wait3A_17 = tpu.memref_slice %arg3[%mul3A_2] : memref<323584xi32, #tpu.memory_space<hbm>> -> memref<10112xi32, #tpu.memory_space<hbm>>
      tpu.wait_dma2 semaphore(%run_scoped3A : memref<!tpu.dma_semaphore, #tpu.memory_space<semaphore_mem>>) src(%dma_wait3A_17 : memref<10112xi32, #tpu.memory_space<hbm>>) dst(%arg9 : memref<10112xi32, #tpu.memory_space<vmem>>)
      tpu.yield
    }) : () -> ()
    "tpu.region"() ({
      %run_scoped3A = tpu.sem_alloc : memref<!tpu.dma_semaphore, #tpu.memory_space<semaphore_mem>>
      tpu.enqueue_dma source(%arg4 : memref<10000xf32, #tpu.memory_space<hbm>>) target(%arg10 : memref<10000xf32, #tpu.memory_space<vmem>>) target_semaphore(%run_scoped3A : memref<!tpu.dma_semaphore, #tpu.memory_space<semaphore_mem>>)
      tpu.wait_dma2 semaphore(%run_scoped3A : memref<!tpu.dma_semaphore, #tpu.memory_space<semaphore_mem>>) src(%arg4 : memref<10000xf32, #tpu.memory_space<hbm>>) dst(%arg10 : memref<10000xf32, #tpu.memory_space<vmem>>)
      tpu.yield
    }) : () -> ()
    "tpu.region"() ({
      %run_scoped3A = tpu.sem_alloc : memref<!tpu.dma_semaphore, #tpu.memory_space<semaphore_mem>>
      tpu.enqueue_dma source(%arg5 : memref<10000xf32, #tpu.memory_space<hbm>>) target(%arg11 : memref<10000xf32, #tpu.memory_space<vmem>>) target_semaphore(%run_scoped3A : memref<!tpu.dma_semaphore, #tpu.memory_space<semaphore_mem>>)
      tpu.wait_dma2 semaphore(%run_scoped3A : memref<!tpu.dma_semaphore, #tpu.memory_space<semaphore_mem>>) src(%arg5 : memref<10000xf32, #tpu.memory_space<hbm>>) dst(%arg11 : memref<10000xf32, #tpu.memory_space<vmem>>)
      tpu.yield
    }) : () -> ()
    %scan3A = arith.constant 0 : i32
    %scan3A_3 = arith.constant 0 : i32
    %scan3A_4 = arith.constant 625 : i32
    %scan3A_5 = arith.addi %scan3A_3, %scan3A_4 : i32
    %scan3A_6 = arith.constant 1 : i32
    scf.for %scan3A_16 = %scan3A_3 to %scan3A_5 step %scan3A_6  : i32 {
      %broadcast_in_dim3A = arith.constant 0.000000e+00 : f32
      %broadcast_in_dim3A_17 = vector.broadcast %broadcast_in_dim3A : f32 to vector<16xf32>
      %mul3A_18 = arith.constant 16 : i32
      %mul3A_19 = arith.muli %scan3A_16, %mul3A_18 : i32
      %swap3A = arith.index_cast %mul3A_19 : i32 to index
      %swap3A_20 = tpu.vector_load %arg12[%swap3A] {strides = array<i32>} : memref<10000xf32, #tpu.memory_space<vmem>>, vector<16xf32>,
      tpu.vector_store %arg12[%swap3A], %broadcast_in_dim3A_17 {strides = array<i32>} : memref<10000xf32, #tpu.memory_space<vmem>>, vector<16xf32>,
    }
    %scan3A_7 = arith.constant 625 : i32
    %iota3A = tpu.iota {dimensions = array<i32: 0>} : vector<16xi32>
    %scan3A_8 = arith.constant 0 : i32
    %scan3A_9 = arith.constant 0 : i32
    %scan3A_10 = arith.constant 632 : i32
    %scan3A_11 = arith.addi %scan3A_9, %scan3A_10 : i32
    %scan3A_12 = arith.constant 1 : i32
    scf.for %scan3A_16 = %scan3A_9 to %scan3A_11 step %scan3A_12  : i32 {
      %mul3A_17 = arith.constant 16 : i32
      %mul3A_18 = arith.muli %scan3A_16, %mul3A_17 : i32
      %get3A = arith.index_cast %mul3A_18 : i32 to index
      %get3A_19 = tpu.vector_load %arg8[%get3A] {strides = array<i32>} : memref<10112xi32, #tpu.memory_space<vmem>>, vector<16xi32>,
      %get3A_20 = arith.index_cast %mul3A_18 : i32 to index
      %get3A_21 = tpu.vector_load %arg9[%get3A_20] {strides = array<i32>} : memref<10112xi32, #tpu.memory_space<vmem>>, vector<16xi32>,
      %gather3A = tpu.vector_load_idx %arg10[%get3A_19] : memref<10000xf32, #tpu.memory_space<vmem>>[vector<16xi32>], vector<16xf32>,
      %gather3A_22 = tpu.vector_load_idx %arg11[%get3A_21] : memref<10000xf32, #tpu.memory_space<vmem>>[vector<16xi32>], vector<16xf32>,
      %add3A_23 = arith.addf %gather3A, %gather3A_22 : vector<16xf32>
      %neg3A = arith.constant 0.000000e+00 : f32
      %neg3A_24 = vector.broadcast %neg3A : f32 to vector<16xf32>
      %neg3A_25 = arith.subf %neg3A_24, %add3A_23 : vector<16xf32>
      %exp3A = math.exp %neg3A_25 : vector<16xf32>
      %add3A_26 = arith.constant 1.000000e+00 : f32
      %add3A_27 = vector.broadcast %add3A_26 : f32 to vector<16xf32>
      %add3A_28 = arith.addf %add3A_27, %exp3A : vector<16xf32>
      %div3A = arith.constant 1.000000e+00 : f32
      %div3A_29 = vector.broadcast %div3A : f32 to vector<16xf32>
      %div3A_30 = arith.divf %div3A_29, %add3A_28 : vector<16xf32>
      %add3A_31 = arith.addi %mul3A_2, %mul3A_18 : i32
      %add3A_32 = vector.broadcast %add3A_31 : i32 to vector<16xi32>
      %add3A_33 = arith.addi %add3A_32, %iota3A : vector<16xi32>
      %lt3A = arith.constant 320000 : i32
      %lt3A_34 = vector.broadcast %lt3A : i32 to vector<16xi32>
      %lt3A_35 = arith.cmpi slt, %add3A_33, %lt3A_34 : vector<16xi32>
      %jit3A = arith.constant 0.000000e+00 : f32
      %broadcast_in_dim3A = vector.broadcast %jit3A : f32 to vector<16xf32>
      %select_n3A = arith.select %lt3A_35, %div3A_30, %broadcast_in_dim3A : vector<16xi1>, vector<16xf32>
      %swap3A = arith.index_cast %mul3A_18 : i32 to index
      %swap3A_36 = tpu.vector_load %arg13[%swap3A] {strides = array<i32>} : memref<10112xf32, #tpu.memory_space<vmem>>, vector<16xf32>,
      tpu.vector_store %arg13[%swap3A], %select_n3A {strides = array<i32>} : memref<10112xf32, #tpu.memory_space<vmem>>, vector<16xf32>,
      tpu.vector_store_idx %arg12[%get3A_19], %select_n3A {add = true} : memref<10000xf32, #tpu.memory_space<vmem>>[vector<16xi32>], vector<16xf32>,
    }
    %scan3A_13 = arith.constant 632 : i32
    "tpu.region"() ({
      %run_scoped3A = tpu.sem_alloc : memref<!tpu.dma_semaphore, #tpu.memory_space<semaphore_mem>>
      %dma_start3A = tpu.memref_slice %arg6[%mul3A_2] : memref<323584xf32, #tpu.memory_space<hbm>> -> memref<10112xf32, #tpu.memory_space<hbm>>
      %dma_start3A_16 = tpu.memref_slice %arg6[%mul3A_2] : memref<323584xf32, #tpu.memory_space<hbm>> -> memref<10112xf32, #tpu.memory_space<hbm>>
      tpu.enqueue_dma source(%arg13 : memref<10112xf32, #tpu.memory_space<vmem>>) target(%dma_start3A_16 : memref<10112xf32, #tpu.memory_space<hbm>>) target_semaphore(%run_scoped3A : memref<!tpu.dma_semaphore, #tpu.memory_space<semaphore_mem>>)
      %dma_wait3A = tpu.memref_slice %arg6[%mul3A_2] : memref<323584xf32, #tpu.memory_space<hbm>> -> memref<10112xf32, #tpu.memory_space<hbm>>
      %dma_wait3A_17 = tpu.memref_slice %arg6[%mul3A_2] : memref<323584xf32, #tpu.memory_space<hbm>> -> memref<10112xf32, #tpu.memory_space<hbm>>
      tpu.wait_dma2 semaphore(%run_scoped3A : memref<!tpu.dma_semaphore, #tpu.memory_space<semaphore_mem>>) src(%arg13 : memref<10112xf32, #tpu.memory_space<vmem>>) dst(%dma_wait3A_17 : memref<10112xf32, #tpu.memory_space<hbm>>)
      tpu.yield
    }) : () -> ()
    %mul3A_14 = arith.constant 10000 : i32
    %mul3A_15 = arith.muli %add3A, %mul3A_14 : i32
    "tpu.region"() ({
      %run_scoped3A = tpu.sem_alloc : memref<!tpu.dma_semaphore, #tpu.memory_space<semaphore_mem>>
      %dma_start3A = tpu.memref_slice %arg7[%mul3A_15] : memref<320000xf32, #tpu.memory_space<hbm>> -> memref<10000xf32, #tpu.memory_space<hbm>>
      %dma_start3A_16 = tpu.memref_slice %arg7[%mul3A_15] : memref<320000xf32, #tpu.memory_space<hbm>> -> memref<10000xf32, #tpu.memory_space<hbm>>
      tpu.enqueue_dma source(%arg12 : memref<10000xf32, #tpu.memory_space<vmem>>) target(%dma_start3A_16 : memref<10000xf32, #tpu.memory_space<hbm>>) target_semaphore(%run_scoped3A : memref<!tpu.dma_semaphore, #tpu.memory_space<semaphore_mem>>)
      %dma_wait3A = tpu.memref_slice %arg7[%mul3A_15] : memref<320000xf32, #tpu.memory_space<hbm>> -> memref<10000xf32, #tpu.memory_space<hbm>>
      %dma_wait3A_17 = tpu.memref_slice %arg7[%mul3A_15] : memref<320000xf32, #tpu.memory_space<hbm>> -> memref<10000xf32, #tpu.memory_space<hbm>>
      tpu.wait_dma2 semaphore(%run_scoped3A : memref<!tpu.dma_semaphore, #tpu.memory_space<semaphore_mem>>) src(%arg12 : memref<10000xf32, #tpu.memory_space<vmem>>) dst(%dma_wait3A_17 : memref<10000xf32, #tpu.memory_space<hbm>>)
      tpu.yield
    }) : () -> ()
    return
  }
}

module attributes {stable_mosaic.version = 14 : i64} {
  func.func @_s1_body(%arg0: memref<10000x128xf32, #tpu.memory_space<vmem>>, %arg1: memref<2x128xf32, #tpu.memory_space<vmem>>, %arg2: memref<1x2xf32, #tpu.memory_space<vmem>>, %arg3: memref<2x256xf32, #tpu.memory_space<vmem>>, %arg4: memref<1x2xf32, #tpu.memory_space<vmem>>, %arg5: memref<1x128xf32, #tpu.memory_space<vmem>>, %arg6: memref<1x128xf32, #tpu.memory_space<vmem>>, %arg7: memref<128x128xf32, #tpu.memory_space<vmem>>, %arg8: memref<10000x1xf32, #tpu.memory_space<vmem>>, %arg9: memref<10000x1xf32, #tpu.memory_space<vmem>>, %arg10: memref<10000x1xf32, #tpu.memory_space<vmem>>, %arg11: memref<10000x128xf32, #tpu.memory_space<vmem>>) attributes {dimension_semantics = [], scalar_prefetch = 0 : i64, scratch_operands = 0 : i64, tpu.core_type = #tpu.core_type<tc>} {
    %get3A = arith.constant 0 : index
    %get3A_0 = arith.constant 0 : index
    %get3A_1 = vector.load %arg0[%get3A, %get3A_0] : memref<10000x128xf32, #tpu.memory_space<vmem>>, vector<10000x128xf32>
    %get3A_2 = arith.constant 0 : index
    %get3A_3 = arith.constant 0 : index
    %get3A_4 = vector.load %arg1[%get3A_2, %get3A_3] : memref<2x128xf32, #tpu.memory_space<vmem>>, vector<1x128xf32>
    %get3A_5 = vector.shape_cast %get3A_4 : vector<1x128xf32> to vector<128xf32>
    %get3A_6 = arith.constant 1 : index
    %get3A_7 = arith.constant 0 : index
    %get3A_8 = vector.load %arg1[%get3A_6, %get3A_7] : memref<2x128xf32, #tpu.memory_space<vmem>>, vector<1x128xf32>
    %get3A_9 = vector.shape_cast %get3A_8 : vector<1x128xf32> to vector<128xf32>
    %sub3A = arith.subf %get3A_5, %get3A_9 : vector<128xf32>
    %get3A_10 = arith.constant 0 : index
    %get3A_11 = arith.constant 0 : index
    %get3A_12 = vector.load %arg3[%get3A_10, %get3A_11] : memref<2x256xf32, #tpu.memory_space<vmem>>, vector<1x128xf32>
    %get3A_13 = vector.shape_cast %get3A_12 : vector<1x128xf32> to vector<128xf32>
    %get3A_14 = arith.constant 1 : index
    %get3A_15 = arith.constant 0 : index
    %get3A_16 = vector.load %arg3[%get3A_14, %get3A_15] : memref<2x256xf32, #tpu.memory_space<vmem>>, vector<1x128xf32>
    %get3A_17 = vector.shape_cast %get3A_16 : vector<1x128xf32> to vector<128xf32>
    %sub3A_18 = arith.subf %get3A_13, %get3A_17 : vector<128xf32>
    %get3A_19 = arith.constant 0 : index
    %get3A_20 = arith.constant 128 : index
    %get3A_21 = vector.load %arg3[%get3A_19, %get3A_20] : memref<2x256xf32, #tpu.memory_space<vmem>>, vector<1x128xf32>
    %get3A_22 = vector.shape_cast %get3A_21 : vector<1x128xf32> to vector<128xf32>
    %get3A_23 = arith.constant 1 : index
    %get3A_24 = arith.constant 128 : index
    %get3A_25 = vector.load %arg3[%get3A_23, %get3A_24] : memref<2x256xf32, #tpu.memory_space<vmem>>, vector<1x128xf32>
    %get3A_26 = vector.shape_cast %get3A_25 : vector<1x128xf32> to vector<128xf32>
    %sub3A_27 = arith.subf %get3A_22, %get3A_26 : vector<128xf32>
    %broadcast_in_dim3A = vector.shape_cast %sub3A : vector<128xf32> to vector<1x128xf32>
    %mul3A = vector.broadcast %broadcast_in_dim3A : vector<1x128xf32> to vector<10000x128xf32>
    %mul3A_28 = arith.mulf %get3A_1, %mul3A : vector<10000x128xf32>
    %reduce_sum3A = arith.constant dense<0.000000e+00> : vector<10000xf32>
    %reduce_sum3A_29 = vector.multi_reduction <add>, %mul3A_28, %reduce_sum3A [1] : vector<10000x128xf32> to vector<10000xf32>
    %broadcast_in_dim3A_30 = vector.shape_cast %reduce_sum3A_29 : vector<10000xf32> to vector<10000x1xf32>
    %get3A_31 = arith.constant 0 : index
    %get3A_32 = arith.constant 0 : index
    %get3A_33 = vector.load %arg2[%get3A_31, %get3A_32] : memref<1x2xf32, #tpu.memory_space<vmem>>, vector<1x1xf32>
    %get3A_34 = vector.extract %get3A_33[0, 0] : f32 from vector<1x1xf32>
    %get3A_35 = arith.constant 0 : index
    %get3A_36 = arith.constant 1 : index
    %get3A_37 = vector.load %arg2[%get3A_35, %get3A_36] : memref<1x2xf32, #tpu.memory_space<vmem>>, vector<1x1xf32>
    %get3A_38 = vector.extract %get3A_37[0, 0] : f32 from vector<1x1xf32>
    %sub3A_39 = arith.subf %get3A_34, %get3A_38 : f32
    %add3A = vector.broadcast %sub3A_39 : f32 to vector<10000x1xf32>
    %add3A_40 = arith.addf %broadcast_in_dim3A_30, %add3A : vector<10000x1xf32>
    %neg3A = arith.constant 0.000000e+00 : f32
    %neg3A_41 = vector.broadcast %neg3A : f32 to vector<10000x1xf32>
    %neg3A_42 = arith.subf %neg3A_41, %add3A_40 : vector<10000x1xf32>
    %exp3A = math.exp %neg3A_42 : vector<10000x1xf32>
    %add3A_43 = arith.constant 1.000000e+00 : f32
    %add3A_44 = vector.broadcast %add3A_43 : f32 to vector<10000x1xf32>
    %add3A_45 = arith.addf %add3A_44, %exp3A : vector<10000x1xf32>
    %div3A = arith.constant 1.000000e+00 : f32
    %div3A_46 = vector.broadcast %div3A : f32 to vector<10000x1xf32>
    %div3A_47 = arith.divf %div3A_46, %add3A_45 : vector<10000x1xf32>
    %broadcast_in_dim3A_48 = vector.shape_cast %sub3A_18 : vector<128xf32> to vector<1x128xf32>
    %mul3A_49 = vector.broadcast %broadcast_in_dim3A_48 : vector<1x128xf32> to vector<10000x128xf32>
    %mul3A_50 = arith.mulf %get3A_1, %mul3A_49 : vector<10000x128xf32>
    %reduce_sum3A_51 = arith.constant dense<0.000000e+00> : vector<10000xf32>
    %reduce_sum3A_52 = vector.multi_reduction <add>, %mul3A_50, %reduce_sum3A_51 [1] : vector<10000x128xf32> to vector<10000xf32>
    %broadcast_in_dim3A_53 = vector.shape_cast %reduce_sum3A_52 : vector<10000xf32> to vector<10000x1xf32>
    %broadcast_in_dim3A_54 = vector.shape_cast %sub3A_27 : vector<128xf32> to vector<1x128xf32>
    %mul3A_55 = vector.broadcast %broadcast_in_dim3A_54 : vector<1x128xf32> to vector<10000x128xf32>
    %mul3A_56 = arith.mulf %get3A_1, %mul3A_55 : vector<10000x128xf32>
    %reduce_sum3A_57 = arith.constant dense<0.000000e+00> : vector<10000xf32>
    %reduce_sum3A_58 = vector.multi_reduction <add>, %mul3A_56, %reduce_sum3A_57 [1] : vector<10000x128xf32> to vector<10000xf32>
    %broadcast_in_dim3A_59 = vector.shape_cast %reduce_sum3A_58 : vector<10000xf32> to vector<10000x1xf32>
    %get3A_60 = arith.constant 0 : index
    %get3A_61 = arith.constant 0 : index
    %get3A_62 = vector.load %arg4[%get3A_60, %get3A_61] : memref<1x2xf32, #tpu.memory_space<vmem>>, vector<1x1xf32>
    %get3A_63 = vector.extract %get3A_62[0, 0] : f32 from vector<1x1xf32>
    %get3A_64 = arith.constant 0 : index
    %get3A_65 = arith.constant 1 : index
    %get3A_66 = vector.load %arg4[%get3A_64, %get3A_65] : memref<1x2xf32, #tpu.memory_space<vmem>>, vector<1x1xf32>
    %get3A_67 = vector.extract %get3A_66[0, 0] : f32 from vector<1x1xf32>
    %sub3A_68 = arith.subf %get3A_63, %get3A_67 : f32
    %add3A_69 = vector.broadcast %sub3A_68 : f32 to vector<10000x1xf32>
    %add3A_70 = arith.addf %broadcast_in_dim3A_59, %add3A_69 : vector<10000x1xf32>
    %mul3A_71 = vector.broadcast %div3A_47 : vector<10000x1xf32> to vector<10000x128xf32>
    %mul3A_72 = arith.mulf %mul3A_71, %get3A_1 : vector<10000x128xf32>
    %reduce_sum3A_73 = arith.constant dense<0.000000e+00> : vector<128xf32>
    %reduce_sum3A_74 = vector.multi_reduction <add>, %mul3A_72, %reduce_sum3A_73 [0] : vector<10000x128xf32> to vector<128xf32>
    %broadcast_in_dim3A_75 = vector.shape_cast %reduce_sum3A_74 : vector<128xf32> to vector<1x128xf32>
    %div3A_76 = arith.constant 1.000000e+04 : f32
    %div3A_77 = vector.broadcast %div3A_76 : f32 to vector<1x128xf32>
    %div3A_78 = arith.divf %broadcast_in_dim3A_75, %div3A_77 : vector<1x128xf32>
    %sub3A_79 = vector.broadcast %div3A_78 : vector<1x128xf32> to vector<10000x128xf32>
    %sub3A_80 = arith.subf %mul3A_72, %sub3A_79 : vector<10000x128xf32>
    %integer_pow3A = arith.mulf %sub3A_80, %sub3A_80 : vector<10000x128xf32>
    %reduce_sum3A_81 = arith.constant dense<0.000000e+00> : vector<128xf32>
    %reduce_sum3A_82 = vector.multi_reduction <add>, %integer_pow3A, %reduce_sum3A_81 [0] : vector<10000x128xf32> to vector<128xf32>
    %broadcast_in_dim3A_83 = vector.shape_cast %reduce_sum3A_82 : vector<128xf32> to vector<1x128xf32>
    %div3A_84 = arith.constant 1.000000e+04 : f32
    %div3A_85 = vector.broadcast %div3A_84 : f32 to vector<1x128xf32>
    %div3A_86 = arith.divf %broadcast_in_dim3A_83, %div3A_85 : vector<1x128xf32>
    %sub3A_87 = vector.broadcast %div3A_78 : vector<1x128xf32> to vector<10000x128xf32>
    %sub3A_88 = arith.subf %mul3A_72, %sub3A_87 : vector<10000x128xf32>
    %add3A_89 = arith.constant 9.99999974E-6 : f32
    %add3A_90 = vector.broadcast %add3A_89 : f32 to vector<1x128xf32>
    %add3A_91 = arith.addf %div3A_86, %add3A_90 : vector<1x128xf32>
    %rsqrt3A = math.rsqrt %add3A_91 : vector<1x128xf32>
    %mul3A_92 = vector.broadcast %rsqrt3A : vector<1x128xf32> to vector<10000x128xf32>
    %mul3A_93 = arith.mulf %sub3A_88, %mul3A_92 : vector<10000x128xf32>
    %get3A_94 = arith.constant 0 : index
    %get3A_95 = arith.constant 0 : index
    %get3A_96 = vector.load %arg5[%get3A_94, %get3A_95] : memref<1x128xf32, #tpu.memory_space<vmem>>, vector<1x128xf32>
    %mul3A_97 = vector.broadcast %get3A_96 : vector<1x128xf32> to vector<10000x128xf32>
    %mul3A_98 = arith.mulf %mul3A_93, %mul3A_97 : vector<10000x128xf32>
    %get3A_99 = arith.constant 0 : index
    %get3A_100 = arith.constant 0 : index
    %get3A_101 = vector.load %arg6[%get3A_99, %get3A_100] : memref<1x128xf32, #tpu.memory_space<vmem>>, vector<1x128xf32>
    %add3A_102 = vector.broadcast %get3A_101 : vector<1x128xf32> to vector<10000x128xf32>
    %add3A_103 = arith.addf %mul3A_98, %add3A_102 : vector<10000x128xf32>
    %get3A_104 = arith.constant 0 : index
    %get3A_105 = arith.constant 0 : index
    %get3A_106 = vector.load %arg7[%get3A_104, %get3A_105] : memref<128x128xf32, #tpu.memory_space<vmem>>, vector<128x128xf32>
    %dot_general3A = arith.constant dense<0.000000e+00> : vector<10000x128xf32>
    %dot_general3A_107 = tpu.matmul %add3A_103, %get3A_106, %dot_general3A {dimension_numbers = #tpu.dot_dimension_numbers<[1], [0], [0], [1], [0, 0, 1, 1], [], []>, transpose_lhs_hint = false} : vector<10000x128xf32>, vector<128x128xf32>, vector<10000x128xf32> -> vector<10000x128xf32>
    %swap3A = arith.constant 0 : index
    %swap3A_108 = arith.constant 0 : index
    %swap3A_109 = vector.load %arg11[%swap3A, %swap3A_108] : memref<10000x128xf32, #tpu.memory_space<vmem>>, vector<10000x128xf32>
    tpu.vector_store %arg11[%swap3A, %swap3A_108], %dot_general3A_107 {strides = array<i32>} : memref<10000x128xf32, #tpu.memory_space<vmem>>, vector<10000x128xf32>,
    %swap3A_110 = arith.constant 0 : index
    %swap3A_111 = arith.constant 0 : index
    %swap3A_112 = vector.load %arg8[%swap3A_110, %swap3A_111] : memref<10000x1xf32, #tpu.memory_space<vmem>>, vector<10000x1xf32>
    tpu.vector_store %arg8[%swap3A_110, %swap3A_111], %div3A_47 {strides = array<i32>} : memref<10000x1xf32, #tpu.memory_space<vmem>>, vector<10000x1xf32>,
    %swap3A_113 = arith.constant 0 : index
    %swap3A_114 = arith.constant 0 : index
    %swap3A_115 = vector.load %arg9[%swap3A_113, %swap3A_114] : memref<10000x1xf32, #tpu.memory_space<vmem>>, vector<10000x1xf32>
    tpu.vector_store %arg9[%swap3A_113, %swap3A_114], %broadcast_in_dim3A_53 {strides = array<i32>} : memref<10000x1xf32, #tpu.memory_space<vmem>>, vector<10000x1xf32>,
    %swap3A_116 = arith.constant 0 : index
    %swap3A_117 = arith.constant 0 : index
    %swap3A_118 = vector.load %arg10[%swap3A_116, %swap3A_117] : memref<10000x1xf32, #tpu.memory_space<vmem>>, vector<10000x1xf32>
    tpu.vector_store %arg10[%swap3A_116, %swap3A_117], %add3A_70 {strides = array<i32>} : memref<10000x1xf32, #tpu.memory_space<vmem>>, vector<10000x1xf32>,
    return
  }
}

module attributes {stable_mosaic.version = 14 : i64} {
  func.func @_s3_body(%arg0: memref<32x10000xf32, #tpu.memory_space<vmem>>, %arg1: memref<10000x128xf32, #tpu.memory_space<vmem>>, %arg2: memref<10000x1xf32, #tpu.memory_space<vmem>>, %arg3: memref<10240x128xf32, #tpu.memory_space<vmem>>) attributes {dimension_semantics = [], scalar_prefetch = 0 : i64, scratch_operands = 0 : i64, tpu.core_type = #tpu.core_type<tc>} {
    %broadcast_in_dim3A = arith.constant 1.000000e+00 : f32
    %broadcast_in_dim3A_0 = vector.broadcast %broadcast_in_dim3A : f32 to vector<32x1xf32>
    %get3A = arith.constant 0 : index
    %get3A_1 = arith.constant 0 : index
    %get3A_2 = vector.load %arg0[%get3A, %get3A_1] : memref<32x10000xf32, #tpu.memory_space<vmem>>, vector<32x10000xf32>
    %dot_general3A = arith.constant dense<0.000000e+00> : vector<10000x1xf32>
    %dot_general3A_3 = tpu.matmul %get3A_2, %broadcast_in_dim3A_0, %dot_general3A {dimension_numbers = #tpu.dot_dimension_numbers<[0], [0], [1], [1], [0, 1, 1, 1], [], []>, transpose_lhs_hint = false} : vector<32x10000xf32>, vector<32x1xf32>, vector<10000x1xf32> -> vector<10000x1xf32>
    %add3A = arith.constant 1.000000e+00 : f32
    %add3A_4 = vector.broadcast %add3A : f32 to vector<10000x1xf32>
    %add3A_5 = arith.addf %dot_general3A_3, %add3A_4 : vector<10000x1xf32>
    %rsqrt3A = math.rsqrt %add3A_5 : vector<10000x1xf32>
    %swap3A = arith.constant 0 : index
    %swap3A_6 = arith.constant 0 : index
    %swap3A_7 = vector.load %arg2[%swap3A, %swap3A_6] : memref<10000x1xf32, #tpu.memory_space<vmem>>, vector<10000x1xf32>
    tpu.vector_store %arg2[%swap3A, %swap3A_6], %rsqrt3A {strides = array<i32>} : memref<10000x1xf32, #tpu.memory_space<vmem>>, vector<10000x1xf32>,
    %get3A_8 = arith.constant 0 : index
    %get3A_9 = arith.constant 0 : index
    %get3A_10 = vector.load %arg1[%get3A_8, %get3A_9] : memref<10000x128xf32, #tpu.memory_space<vmem>>, vector<10000x128xf32>
    %mul3A = vector.broadcast %rsqrt3A : vector<10000x1xf32> to vector<10000x128xf32>
    %mul3A_11 = arith.mulf %mul3A, %get3A_10 : vector<10000x128xf32>
    %swap3A_12 = arith.constant 0 : index
    %swap3A_13 = arith.constant 0 : index
    %swap3A_14 = vector.load %arg3[%swap3A_12, %swap3A_13] : memref<10240x128xf32, #tpu.memory_space<vmem>>, vector<10000x128xf32>
    tpu.vector_store %arg3[%swap3A_12, %swap3A_13], %mul3A_11 {strides = array<i32>} : memref<10240x128xf32, #tpu.memory_space<vmem>>, vector<10000x128xf32>,
    %broadcast_in_dim3A_15 = arith.constant 0.000000e+00 : f32
    %broadcast_in_dim3A_16 = vector.broadcast %broadcast_in_dim3A_15 : f32 to vector<240x128xf32>
    %swap3A_17 = arith.constant 10000 : index
    %swap3A_18 = arith.constant 0 : index
    %swap3A_19 = vector.load %arg3[%swap3A_17, %swap3A_18] : memref<10240x128xf32, #tpu.memory_space<vmem>>, vector<240x128xf32>
    tpu.vector_store %arg3[%swap3A_17, %swap3A_18], %broadcast_in_dim3A_16 {strides = array<i32>} : memref<10240x128xf32, #tpu.memory_space<vmem>>, vector<240x128xf32>,
    return
  }
}

module attributes {stable_mosaic.version = 14 : i64} {
  func.func @_s5_body(%arg0: memref<2x10240x128xf32, #tpu.memory_space<vmem>>, %arg1: memref<10240x128xf32, #tpu.memory_space<vmem>>, %arg2: memref<10000x1xf32, #tpu.memory_space<vmem>>, %arg3: memref<1x128xf32, #tpu.memory_space<vmem>>, %arg4: memref<10000x1xi32, #tpu.memory_space<vmem>>, %arg5: memref<256x128xf32, #tpu.memory_space<vmem>>) attributes {dimension_semantics = [], scalar_prefetch = 0 : i64, scratch_operands = 0 : i64, tpu.core_type = #tpu.core_type<tc>} {
    %get3A = arith.constant 0 : index
    %get3A_0 = arith.constant 0 : index
    %get3A_1 = arith.constant 0 : index
    %get3A_2 = vector.load %arg0[%get3A, %get3A_0, %get3A_1] : memref<2x10240x128xf32, #tpu.memory_space<vmem>>, vector<1x10000x128xf32>
    %get3A_3 = vector.shape_cast %get3A_2 : vector<1x10000x128xf32> to vector<10000x128xf32>
    %get3A_4 = arith.constant 1 : index
    %get3A_5 = arith.constant 0 : index
    %get3A_6 = arith.constant 0 : index
    %get3A_7 = vector.load %arg0[%get3A_4, %get3A_5, %get3A_6] : memref<2x10240x128xf32, #tpu.memory_space<vmem>>, vector<1x10000x128xf32>
    %get3A_8 = vector.shape_cast %get3A_7 : vector<1x10000x128xf32> to vector<10000x128xf32>
    %add3A = arith.addf %get3A_3, %get3A_8 : vector<10000x128xf32>
    %get3A_9 = arith.constant 0 : index
    %get3A_10 = arith.constant 0 : index
    %get3A_11 = vector.load %arg1[%get3A_9, %get3A_10] : memref<10240x128xf32, #tpu.memory_space<vmem>>, vector<10000x128xf32>
    %get3A_12 = arith.constant 0 : index
    %get3A_13 = arith.constant 0 : index
    %get3A_14 = vector.load %arg2[%get3A_12, %get3A_13] : memref<10000x1xf32, #tpu.memory_space<vmem>>, vector<10000x1xf32>
    %add3A_15 = arith.addf %add3A, %get3A_11 : vector<10000x128xf32>
    %mul3A = vector.broadcast %get3A_14 : vector<10000x1xf32> to vector<10000x128xf32>
    %mul3A_16 = arith.mulf %mul3A, %add3A_15 : vector<10000x128xf32>
    %get3A_17 = arith.constant 0 : index
    %get3A_18 = arith.constant 0 : index
    %get3A_19 = vector.load %arg3[%get3A_17, %get3A_18] : memref<1x128xf32, #tpu.memory_space<vmem>>, vector<1x128xf32>
    %add3A_20 = vector.broadcast %get3A_19 : vector<1x128xf32> to vector<10000x128xf32>
    %add3A_21 = arith.addf %mul3A_16, %add3A_20 : vector<10000x128xf32>
    %gt3A = arith.constant 0.000000e+00 : f32
    %gt3A_22 = vector.broadcast %gt3A : f32 to vector<10000x128xf32>
    %gt3A_23 = arith.cmpf ogt, %add3A_21, %gt3A_22 : vector<10000x128xf32>
    %exp3A = math.exp %add3A_21 : vector<10000x128xf32>
    %sub3A = arith.constant 1.000000e+00 : f32
    %sub3A_24 = vector.broadcast %sub3A : f32 to vector<10000x128xf32>
    %sub3A_25 = arith.subf %exp3A, %sub3A_24 : vector<10000x128xf32>
    %select_n3A = arith.select %gt3A_23, %add3A_21, %sub3A_25 : vector<10000x128xi1>, vector<10000x128xf32>
    %iota3A = tpu.iota {dimensions = array<i32: 1>} : vector<1x256xi32>
    %get3A_26 = arith.constant 0 : index
    %get3A_27 = arith.constant 0 : index
    %get3A_28 = vector.load %arg4[%get3A_26, %get3A_27] : memref<10000x1xi32, #tpu.memory_space<vmem>>, vector<10000x1xi32>
    %eq3A = vector.broadcast %get3A_28 : vector<10000x1xi32> to vector<10000x256xi32>
    %eq3A_29 = vector.broadcast %iota3A : vector<1x256xi32> to vector<10000x256xi32>
    %eq3A_30 = arith.cmpi eq, %eq3A, %eq3A_29 : vector<10000x256xi32>
    %convert_element_type3A = arith.extui %eq3A_30 : vector<10000x256xi1> to vector<10000x256xi32>
    %convert_element_type3A_31 = arith.sitofp %convert_element_type3A : vector<10000x256xi32> to vector<10000x256xf32>
    %dot_general3A = arith.constant dense<0.000000e+00> : vector<256x128xf32>
    %dot_general3A_32 = tpu.matmul %convert_element_type3A_31, %select_n3A, %dot_general3A {dimension_numbers = #tpu.dot_dimension_numbers<[0], [0], [1], [1], [0, 1, 1, 1], [], []>, transpose_lhs_hint = false} : vector<10000x256xf32>, vector<10000x128xf32>, vector<256x128xf32> -> vector<256x128xf32>
    %swap3A = arith.constant 0 : index
    %swap3A_33 = arith.constant 0 : index
    %swap3A_34 = vector.load %arg5[%swap3A, %swap3A_33] : memref<256x128xf32, #tpu.memory_space<vmem>>, vector<256x128xf32>
    tpu.vector_store %arg5[%swap3A, %swap3A_33], %dot_general3A_32 {strides = array<i32>} : memref<256x128xf32, #tpu.memory_space<vmem>>, vector<256x128xf32>,
    return
  }
}

</mosaic_0001>

<sc_bundles>
// kernel: kernel.10.cloned.1.call-start
scs
__scs_entry_jumppad:
0x0: {  	(pc) =	sbr.rel $0x88, $3  }
0x1: {  	(tag) =	ssettag $0x0;
	lr =	simm.s32 $0x1  }
0x2: {  	[smem:$0x3F96] =	sst lr;
	_ =	strace $0xD0000000  }
0x3: {  	_ = 	snop  }
0x4: {  	_ = 	snop  }
0x5: {  	_ = 	snop  }
0x6: {  	_ = 	snop  }
0x7: {  	_ = 	snop  }
__scs_overlays_trampoline_lowered:
0x8: {  	[smem:$0x3FA5] =	sst s0  }
0x9: {  	[smem:$0x3FA6] =	sst s1  }
0xa: {  	[smem:$0x3FA7] =	sst s2  }
0xb: {  	[smem:$0x3FA8] =	sst s3  }
0xc: {  	[smem:$0x3FA9] =	sst s4  }
0xd: {  	[smem:$0x3FAA] =	sst s5  }
0xe: {  	[smem:$0x3FAB] =	sst s6  }
0xf: {  	[smem:$0x3FAC] =	sst s7  }
0x10: {  	[smem:$0x3FAD] =	sst s8  }
0x11: {  	[smem:$0x3FAE] =	sst s9;
	s0 =	simm.s32 @!p0 $0x0  }
0x12: {  	s1 =	sld [smem:$0x3F94];
	s0 =	simm.s32 @p0 $0x1  }
0x13: {  	[smem:$0x3FAF] =	sst s0;
	s0 =	simm.s32 @!p1 $0x0  }
0x14: {  	s2 =	sld [smem:$0x3F93];
	s0 =	simm.s32 @p1 $0x1  }
0x15: {  	[smem:$0x3FB0] =	sst s0;
	s0 =	simm.s32 @!p2 $0x0  }
0x16: {  	s3 =	sld [smem:$0x3FDB];
	s0 =	simm.s32 @p2 $0x1  }
0x17: {  	s4 =	simm.s32 $0x1BF5;
	[smem:$0x3FB2] =	sst s0  }
0x18: {  	s0 =	sld [smem:$0x3F95];
	_ =	swait.ge [sflag:s4], $0x0  }
0x19: {  	s7 =	sld [smem:$0x3F96]  }
0x1a: {  	s8 =	sadd.s32 $0xFFFFE003, lr  }
0x1b: {  	s9 =	sadd.s32 $0xFFFFFEF7, lr;
	s5 =	simm.s32 $0xFFFFFFFF;
	p2 =	slt.u32 s8, $0xFFFFF086  }
0x1c: {  	p1 =	slt.u32 s9, $0xF7A;
	s5 =	simm.s32 @!p2 $0x0  }
0x1d: {  	s5 =	simm.s32 @p1 $0x1;
	p0 =	seq.s32 s7, s2  }
0x1e: {  	s7 =	smul.u32 @!p0 $0xF7A, s2;
	p2 =	seq.s32 @!p0 s5, $0x0  }
0x1f: {  	s9 =	smul.u32 $0xF7A, s1;
	s8 =	simm.s32 @!p0 $0x1BF5;
	p2 =	por !p2, p0  }
0x20: {  	[sflag:s8] =	ssyncset.s32 @!p0 $0xFFFFF086;
	s6 =	sadd.s32 @!p0 s3, s7;
	s7 =	simm.s32 @!p0 $0x108  }
0x21: {  	s3 =	sadd.s32 s3, s9;
	s6 =	sadd.s32 @!p0 $0x88, s6;
	s7 =	simm.s32 @p2 $0x1082  }
0x22: {  	[simem:s7], [sflag:s8] =	dma.local @!p0 [hbm:s6], $0xF7A  }
0x23: {  	s9 =	sor.u32 $0xD0000000, s2;
	s6 =	simm.s32 $0x108;
	_ =	swait.ge @!p0 [sflag:s8], $0x0  }
0x24: {  	s3 =	sadd.s32 $0x88, s3;
	s6 =	simm.s32 @!p1 $0x1082;
	[sflag:s4] =	ssyncset.s32 $0xFFFFF086  }
0x25: {  	[simem:s6], [sflag:s4] =	dma.local [hbm:s3], $0xF7A  }
0x26: {  	[smem:$0x3F96] =	sst s1;
	(tag) =	ssettag s2;
	_ =	strace s9  }
0x27: {  	s1 =	sld [smem:$0x3FA6]  }
0x28: {  	s2 =	sld [smem:$0x3FA7]  }
0x29: {  	s4 =	sld [smem:$0x3FA9]  }
0x2a: {  	p0 =	seq.s32 s5, $0x0;
	s5 =	sld [smem:$0x3FAA]  }
0x2b: {  	s6 =	sld [smem:$0x3FAB]  }
0x2c: {  	s7 =	sld [smem:$0x3FAC]  }
0x2d: {  	s3 =	simm.s32 $0x108;
	s8 =	sld [smem:$0x3FAD]  }
0x2e: {  	s3 =	simm.s32 @!p0 $0x1082;
	s9 =	sld [smem:$0x3FAE]  }
0x2f: {  	lr =	sadd.s32 s0, s3;
	s0 =	sld [smem:$0x3FA5]  }
0x30: {  	s3 =	sld [smem:$0x3FA8]  }
0x31: {  	[smem:$0x3FB1] =	sst s10  }
0x32: {  	s10 =	sld [smem:$0x3FAF];
	_ =	sdelay $0x3  }
0x33: {  	p0 =	seq.s32 s10, $0x1;
	s10 =	sld [smem:$0x3FB1];
	_ =	sdelay $0x3  }
0x34: {  	[smem:$0x3FB1] =	sst s10  }
0x35: {  	s10 =	sld [smem:$0x3FB0];
	_ =	sdelay $0x3  }
0x36: {  	p1 =	seq.s32 s10, $0x1;
	s10 =	sld [smem:$0x3FB1];
	_ =	sdelay $0x3  }
0x37: {  	[smem:$0x3FB1] =	sst s10  }
0x38: {  	s10 =	sld [smem:$0x3FB2]  }
0x39: {  	_ = 	snop;
	(pc) =	sbr.ind lr, $3  }
0x3a: {  	_ = 	snop  }
0x3b: {  	_ = 	snop  }
0x3c: {  	p2 =	seq.s32 s10, $0x1;
	s10 =	sld [smem:$0x3FB1]  }
0x3d: {  	_ =	shalt  }
0x3e: {  	_ =	shalt  }
0x3f: {  	_ =	shalt  }
0x40: {  	_ =	shalt  }
0x41: {  	_ =	shalt  }
0x42: {  	_ =	shalt  }
0x43: {  	_ =	shalt  }
0x44: {  	_ =	shalt  }
0x45: {  	_ =	shalt  }
0x46: {  	_ =	shalt  }
0x47: {  	_ =	shalt  }
0x48: {  	_ =	shalt  }
0x49: {  	_ =	shalt  }
0x4a: {  	_ =	shalt  }
0x4b: {  	_ =	shalt  }
0x4c: {  	_ =	shalt  }
0x4d: {  	_ =	shalt  }
0x4e: {  	_ =	shalt  }
0x4f: {  	_ =	shalt  }
0x50: {  	_ =	shalt  }
0x51: {  	_ =	shalt  }
0x52: {  	_ =	shalt  }
0x53: {  	_ =	shalt  }
0x54: {  	_ =	shalt  }
0x55: {  	_ =	shalt  }
0x56: {  	_ =	shalt  }
0x57: {  	_ =	shalt  }
0x58: {  	_ =	shalt  }
0x59: {  	_ =	shalt  }
0x5a: {  	_ =	shalt  }
0x5b: {  	_ =	shalt  }
0x5c: {  	_ =	shalt  }
0x5d: {  	_ =	shalt  }
0x5e: {  	_ =	shalt  }
0x5f: {  	_ =	shalt  }
0x60: {  	_ =	shalt  }
0x61: {  	_ =	shalt  }
0x62: {  	_ =	shalt  }
0x63: {  	_ =	shalt  }
0x64: {  	_ =	shalt  }
0x65: {  	_ =	shalt  }
0x66: {  	_ =	shalt  }
0x67: {  	_ =	shalt  }
0x68: {  	_ =	shalt  }
0x69: {  	_ =	shalt  }
0x6a: {  	_ =	shalt  }
0x6b: {  	_ =	shalt  }
0x6c: {  	_ =	shalt  }
0x6d: {  	_ =	shalt  }
0x6e: {  	_ =	shalt  }
0x6f: {  	_ =	shalt  }
0x70: {  	_ =	shalt  }
0x71: {  	_ =	shalt  }
0x72: {  	_ =	shalt  }
0x73: {  	_ =	shalt  }
0x74: {  	_ =	shalt  }
0x75: {  	_ =	shalt  }
0x76: {  	_ =	shalt  }
0x77: {  	_ =	shalt  }
0x78: {  	_ =	shalt  }
0x79: {  	_ =	shalt  }
0x7a: {  	_ =	shalt  }
0x7b: {  	_ =	shalt  }
0x7c: {  	_ =	shalt  }
0x7d: {  	_ =	shalt  }
0x7e: {  	_ =	shalt  }
0x7f: {  	_ =	shalt  }
0x80: {  	_ =	shalt  }
0x81: {  	_ =	shalt  }
0x82: {  	_ =	shalt  }
0x83: {  	_ =	shalt  }
0x84: {  	_ =	shalt  }
0x85: {  	_ =	shalt  }
0x86: {  	_ =	shalt  }
0x87: {  	_ =	shalt  }
.Lfunc_end0:
.L_simem_size_0:
called_computation.1_lowered:
.L_overlay_start_0:
0x88: {  	s2 =	sld [smem:$0x3FD9]  }
0x89: {  	s3 =	sld [smem:$0x3FFE];
	_ =	sdelay $0x1  }
0x8a: {  	s1 =	srdreg.scid  }
0x8b: {  	s0 =	sand.u32 $0x1, s1  }
0x8c: {  	s16 =	sshll.u32 s0, $0xA;
	s2 =	sadd.s32 s3, s2  }
0x8d: {  	s2 =	sadd.s32 s2, s16  }
0x8e: {  	[smem:$0x3FBD] =	sst s2  }
0x8f: {  	_ = 	snop  }
0x90: {  	(tm) =	ssettm $0x1  }
0x91: {  	s17 =	sld [smem:$0x3FFB];
	_ =	sdelay $0x3  }
0x92: {  	_ =	strace s17  }
0x93: {  	s2 =	sld [smem:$0x3FFC];
	_ =	sdelay $0x3  }
0x94: {  	_ =	strace s2  }
0x95: {  	s2 =	sld [smem:$0x3FFD];
	_ =	sdelay $0x3  }
0x96: {  	_ =	strace s2  }
0x97: {  	_ =	strace $0x8FFFFFFF  }
0x98: {  	s18 =	sld [smem:$0x3FDB];
	_ =	sdelay $0x1  }
0x99: {  	s19 =	simm.s32 $_scs_section_size  }
0x9a: {  	s4 =	simm.s32 $_size__tile_overlayer_lowered;
	s5 =	simm.s32 $_tile_overlayer_lowered  }
0x9b: {  	s22 =	simm.s32 $0x1BFF;
	s21 =	sshll.u32 s5, $0x1;
	s2 =	sadd.s32 s19, s18  }
0x9c: {  	s6 =	simm.s32 $0x0;
	s20 =	sshll.u32 s4, $0x1;
	s4 =	sadd.s32 s21, s2  }
0x9d: {  	[timem:s6], [sflag:s22] =	dma.local [hbm:s4], s20  }
0x9e: {  	_ =	swait.ge [sflag:s22], s20  }
0x9f: {  	s3 =	ssub.s32 $0x0, s20;
	[sflag:s22] =	ssyncset.done $0x0  }
0xa0: {  	[sflag:s22] =	ssyncadd.s32 s3;
	_ =	sdelay $0x1  }
0xa1: {  	s23 =	simm.s32 $0x1B8B  }
0xa2: {  	_ =	swait.ge [sflag:s23], $0x1  }
0xa3: {  	[sflag:s23] =	ssyncset.done $0x0  }
0xa4: {  	s25 =	simm.s32 $0x1B8E;
	s24 =	sld [smem:$0x3FFE];
	[sflag:s23] =	ssyncadd.s32 $0xFFFFFFFF  }
0xa5: {  	s26 =	simm.s32 $execute0_lowered;
	[smem:$0x3FD2] =	sst s25  }
0xa6: {  	s4 =	sshll.u32 s26, $0x1;
	_ =	strace $0x80000049;
	[dreg:$0x1] =	wrdreg $0xFFFFFFFF  }
0xa7: {  	s28 =	simm.s32 $_size_execute0_lowered;
	s2 =	sadd.s32 s2, s4;
	[dreg:$0x0] =	wrdreg $0x0  }
0xa8: {  	s4 =	sshll.u32 s28, $0x1;
	[dreg:$0x2] =	wrdreg s2  }
0xa9: {  	[dreg:$0x3] =	wrdreg s4  }
0xaa: {  	[dreg:$0x4] =	wrdreg $0xC0  }
0xab: {  	_ =	task [dreg:s6], $0x5FFFF  }
0xac: {  	[dreg:$0x1] =	wrdreg $0xFFFFFFFF  }
0xad: {  	[dreg:$0x0] =	wrdreg $0x60  }
0xae: {  	[dreg:$0x2] =	wrdreg s24  }
0xaf: {  	[dreg:$0x3] =	wrdreg $0xB7800  }
0xb0: {  	[dreg:$0x4] =	wrdreg $0x9  }
0xb1: {  	_ =	task.clear_ibuf [dreg:s6], $0x5FFFF;
	_ =	strace $0x90000049  }
0xb2: {  	s29 =	simm.s32 $0x9;
	_ =	strace $0x8000004B  }
0xb3: {  	_ =	swait.ge [sflag:s29], $0x1  }
0xb4: {  	[sflag:s29] =	ssyncadd.s32 $0xFFFFFFFF  }
0xb5: {  	_ =	strace $0x9000004B  }
0xb6: {  	_ =	sfence  }
0xb7: {  	s30 =	sld [smem:$0x0];
	_ =	sdelay $0x2  }
0xb8: {  	s31 =	sshll.u32 s1, $0xD;
	s1 =	sshrl.u32 s1, $0x2  }
0xb9: {  	s3 =	sand.u32 $0x4000, s31;
	s1 =	sadd.s32 s1, s30  }
0xba: {  	s0 =	sor.u32 s3, s0;
	s1 =	sshll.u32 s1, $0x11  }
0xbb: {  	s0 =	sor.u32 s1, s0  }
0xbc: {  	s0 =	sadd.s32 $0x8F2B, s0  }
0xbd: {  	[sflag:s0] =	ssyncadd.remote.s32 $0x1  }
0xbe: {  	_ =	sfence.sel $0xFFFF  }
0xbf: {  	[dreg:$0x0] =	wrdreg $0xFFFFFFFF;
	(pc) =	sbr.abs _section_cstart, $3  }
0xc0: {  	[dreg:$0x1] =	wrdreg $0xFFFFFFFF  }
0xc1: {  	_ =	task.clear_ibuf [dreg:s6], $0x2FFFF;
	_ =	strace $0x9FFFFFFF  }
0xc2: {  	(tm) =	ssettm $0x7FFFFFFF  }
0xc3: {  	_ =	shalt  }
tec
execute0_lowered:
.L_overlay_start_1:
0x0: {  	(tag) =	ssettag $0x1  }
0x1: {  	s0 =	srdreg.scid;
	s6 =	rddreg [dreg:$0x0]  }
0x2: {  	s2 =	rddreg [dreg:$0x1];
	s3 =	simm.s32 $0x0;
	s16 =	simm.s32 $0x1  }
0x3: {  	s17 =	simm.s32 $0x2800;
	s18 =	simm.s32 $0x5000;
	s5 =	sand.u32 $0x1, s0  }
0x4: {  	s19 =	simm.s32 $0x80;
	s0 =	stileid.u32;
	s9 =	smul.u32 $0x140000, s5  }
0x5: {  	[smem:$0x7FF] =	sst s3;
	s1 =	sshll.u32 s5, $0x4;
	s10 =	smul.u32 $0x14000, s0  }
0x6: {  	s11 =	smul.u32 $0x50000, s0;
	s29 =	ssub.s32 $0x2, s5;
	s1 =	sor.u32 s0, s1  }
0x7: {  	s4 =	sadd.s32 $0x33E00, s6;
	s31 =	sshrl.u32 s29, $0x1;
	s7 =	smul.u32 $0x500, s1  }
0x8: {  	s8 =	smul.u32 $0x4F0, s1;
	s1 =	rddreg [dreg:$0x2];
	_ =	strace $0x8000004A  }
0x9: {  	s28 =	sadd.s32 s10, s9;
	s30 =	sshrl.u32 s11, $0x2;
	s15 =	ssub.s32 s29, s31  }
0xa: {  	s5 =	sadd.s32 s30, s2;
	s12 =	sadd.s32 s7, s6;
	s13 =	sadd.s32 s8, s6  }
0xb: {  	s7 =	sshrl.u32 s28, $0x3;
	s8 =	sadd.s32 $0xC000, s5;
	s9 =	sadd.s32 $0x10000, s5  }
0xc: {  	s14 =	sadd.s32 s7, s6;
	s6 =	sadd.s32 $0x4000, s5;
	s7 =	sadd.s32 $0x8000, s5  }
0xd: {  	s10 =	sadd.s32 $0x1FE00, s12;
	s11 =	sadd.s32 $0x29E00, s12;
	s12 =	sadd.s32 $0x16000, s13  }
0xe: {  	v0 =	vimm.f32 $0.0e+00;
	s13 =	sadd.s32 $0x5BE00, s14;
	s14 =	smax.u32 s15, $0x1;
	s15 =	simm.s32 $0x7780  }
.LBB2_1:
0xf: {  	s20 =	simm.s32 $0x0;
	s21 =	simm.s32 $0x200  }
.LBB2_2:
0x10: {  	p0 =	sne.s32 s21, $0xFE00;
	[tilespmem:s20+$0x77F0] =	vst v0  }
0x11: {  	[tilespmem:s20+$0x7780] =	vst v0  }
0x12: {  	[tilespmem:s20+$0x7790] =	vst v0  }
.Ltmp0:
0x13: {  	[tilespmem:s20+$0x77A0] =	vst v0;
	(pc) =	sbr.rel @p0 .LBB2_2-.Ltmp0, $4  }
0x14: {  	[tilespmem:s20+$0x77B0] =	vst v0  }
0x15: {  	[tilespmem:s20+$0x77C0] =	vst v0  }
0x16: {  	[tilespmem:s20+$0x77D0] =	vst v0  }
0x17: {  	[tilespmem:s20+$0x77E0] =	vst v0;
	s20 =	sshra.s32 s21, $0x2;
	s21 =	sadd.s32 $0x200, s21  }
0x18: {  	[tilespmem:s20+$0x77F0] =	vst v0  }
0x19: {  	[tilespmem:s20+$0x7780] =	vst v0  }
0x1a: {  	[tilespmem:s20+$0x7790] =	vst v0  }
0x1b: {  	[tilespmem:s20+$0x77A0] =	vst v0  }
0x1c: {  	[tilespmem:s20+$0x77B0] =	vst v0  }
0x1d: {  	[tilespmem:s20+$0x77C0] =	vst v0  }
0x1e: {  	[tilespmem:s20+$0x77D0] =	vst v0  }
0x1f: {  	[tilespmem:s20+$0x77E0] =	vst v0  }
0x20: {  	[spmem:s5] =	stream.linear.scatter [tilespmem:s15], [sflag:$0x1], $0x4000, $0x38;
	[tilespmem:$0x1F780] =	vst v63  }
0x21: {  	_ =	swait.ge [sflag:s16], $0x4000  }
0x22: {  	[sflag:s16] =	ssyncset.done $0x0  }
0x23: {  	[sflag:s16] =	ssyncadd.s32 $0xFFFFC000  }
0x24: {  	[spmem:s6] =	stream.linear.scatter [tilespmem:s15], [sflag:$0x1], $0x4000, $0x38;
	[tilespmem:$0x1F780] =	vst v63  }
0x25: {  	_ =	swait.ge [sflag:s16], $0x4000  }
0x26: {  	[sflag:s16] =	ssyncset.done $0x0  }
0x27: {  	[sflag:s16] =	ssyncadd.s32 $0xFFFFC000  }
0x28: {  	[spmem:s7] =	stream.linear.scatter [tilespmem:s15], [sflag:$0x1], $0x4000, $0x38;
	[tilespmem:$0x1F780] =	vst v63  }
0x29: {  	_ =	swait.ge [sflag:s16], $0x4000  }
0x2a: {  	[sflag:s16] =	ssyncset.done $0x0  }
0x2b: {  	[sflag:s16] =	ssyncadd.s32 $0xFFFFC000  }
0x2c: {  	[spmem:s8] =	stream.linear.scatter [tilespmem:s15], [sflag:$0x1], $0x4000, $0x38;
	[tilespmem:$0x1F780] =	vst v63  }
0x2d: {  	_ =	swait.ge [sflag:s16], $0x4000  }
0x2e: {  	[sflag:s16] =	ssyncset.done $0x0  }
0x2f: {  	[sflag:s16] =	ssyncadd.s32 $0xFFFFC000  }
0x30: {  	[spmem:s9] =	stream.linear.scatter [tilespmem:s15], [sflag:$0x1], $0x4000, $0x38;
	[tilespmem:$0x1F780] =	vst v63  }
0x31: {  	_ =	swait.ge [sflag:s16], $0x4000  }
0x32: {  	[sflag:s16] =	ssyncset.done $0x0  }
0x33: {  	[sflag:s16] =	ssyncadd.s32 $0xFFFFC000  }
0x34: {  	s20 =	simm.s32 $0x0;
	[bflag:$0x0] =	sbarrier.arrive $0xFFFF  }
0x35: {  	[tilespmem:s20], [sflag:$0x1] =	stream.linear.gather [hbm4b:s10+s20], $0x2780, $0x38;
	[tilespmem:$0x1F780] =	vst v63  }
0x36: {  	_ =	swait.ge [sflag:s16], $0x2780  }
0x37: {  	[sflag:s16] =	ssyncset.done $0x0  }
0x38: {  	[sflag:s16] =	ssyncadd.s32 $0xFFFFD880  }
0x39: {  	[tilespmem:s17], [sflag:$0x1] =	stream.linear.gather [hbm4b:s11+s20], $0x2780, $0x38;
	[tilespmem:$0x1F780] =	vst v63  }
0x3a: {  	_ =	swait.ge [sflag:s16], $0x2780  }
0x3b: {  	[sflag:s16] =	ssyncset.done $0x0  }
0x3c: {  	[sflag:s16] =	ssyncadd.s32 $0xFFFFD880  }
0x3d: {  	[tilespmem:s18], [sflag:$0x1] =	stream.linear.gather [hbm4b:s12+s20], $0x2780, $0x38;
	[tilespmem:$0x1F780] =	vst v63  }
0x3e: {  	_ =	swait.ge [sflag:s16], $0x2780  }
0x3f: {  	[sflag:s16] =	ssyncset.done $0x0  }
0x40: {  	s21 =	simm.s32 $0x0;
	[sflag:s16] =	ssyncadd.s32 $0xFFFFD880  }
.LBB2_4:
0x41: {  	s22 =	sshll.u32 s21, $0x7  }
0x42: {  	[tilespmem:s15], [sflag:$0x1] =	stream.indirect.gather [hbm4b:s4+s19], $0x80, s22, s19, $0xb8;
	[tilespmem:$0x1F780] =	vst v63  }
0x43: {  	s23 =	sadd.s32 $0x0, s20;
	_ =	swait.ge [sflag:s16], $0x4000  }
0x44: {  	v1 =	vmov s23;
	[sflag:s16] =	ssyncset.done $0x0  }
0x45: {  	s23 =	simm.s32 $0x77C0;
	[sflag:s16] =	ssyncadd.s32 $0xFFFFC000  }
0x46: {  	v5 =	vld [tilespmem:s23+$0x30]  }
0x47: {  	v8 =	vld [tilespmem:s23+$0x10]  }
0x48: {  	v6 =	vld [tilespmem:s23+$0xFFFFFFC0]  }
0x49: {  	v2 =	vld.idx.msk [tilespmem:v1+s18+$0x0], $0xffff  }
0x4a: {  	v10 =	vld [tilespmem:s23+$0xFFFFFFE0]  }
0x4b: {  	v3 =	vld [tilespmem:s23+$0x20]  }
0x4c: {  	v4 =	vld [tilespmem:s23+$0xFFFFFFD0]  }
0x4d: {  	v1 =	vld [tilespmem:s23+$0xFFFFFFF0]  }
0x4e: {  	v9 =	vmul.f32 v5, v2;
	v5 =	vld [tilespmem:s23+$0x0]  }
0x4f: {  	v7 =	vmul.f32 v6, v2  }
0x50: {  	s24 =	simm.s32 $0x1;
	s25 =	simm.s32 $0x77C0;
	v6 =	vmul.f32 v10, v2;
	v8 =	vmul.f32 v8, v2  }
.LBB2_5:
0x51: {  	p0 =	sne.s32 s24, $0x7F  }
0x52: {  	v4 =	vmul.f32 v4, v2;
	v3 =	vmul.f32 v3, v2;
	[tilespmem:s23+$0x30] =	vst v9;
	s25 =	sadd.s32 $0x80, s25;
	s26 =	smov.u32 s24;
	s24 =	sadd.s32 $0x1, s24  }
0x53: {  	[tilespmem:s23+$0xFFFFFFC0] =	vst v7;
	v7 =	vmul.f32 v1, v2;
	v2 =	vmul.f32 v5, v2  }
0x54: {  	s26 =	sadd.s32 s26, s20;
	[tilespmem:s23+$0x10] =	vst v8  }
0x55: {  	v5 =	vmov s26;
	[tilespmem:s23+$0xFFFFFFE0] =	vst v6  }
0x56: {  	v1 =	vld [tilespmem:s25+$0xFFFFFFF0];
	[tilespmem:s23+$0xFFFFFFF0] =	vst v7  }
0x57: {  	v6 =	vld [tilespmem:s25+$0x30];
	[tilespmem:s23+$0x0] =	vst v2  }
0x58: {  	v8 =	vld [tilespmem:s25+$0x10];
	[tilespmem:s23+$0x20] =	vst v3  }
0x59: {  	v7 =	vld [tilespmem:s25+$0xFFFFFFC0];
	[tilespmem:s23+$0xFFFFFFD0] =	vst v4;
	s23 =	smov.u32 s25  }
0x5a: {  	v2 =	vld.idx.msk [tilespmem:v5+s18+$0x0], $0xffff  }
0x5b: {  	v10 =	vld [tilespmem:s25+$0xFFFFFFE0]  }
0x5c: {  	v3 =	vld [tilespmem:s25+$0x20]  }
.Ltmp1:
0x5d: {  	v4 =	vld [tilespmem:s25+$0xFFFFFFD0];
	(pc) =	sbr.rel @p0 .LBB2_5-.Ltmp1, $3  }
0x5e: {  	v5 =	vld [tilespmem:s25+$0x0];
	_ =	sdelay $0x1  }
0x5f: {  	v7 =	vmul.f32 v7, v2;
	v9 =	vmul.f32 v6, v2  }
0x60: {  	v8 =	vmul.f32 v8, v2;
	v6 =	vmul.f32 v10, v2  }
0x61: {  	[tilespmem:s23+$0x30] =	vst v9  }
0x62: {  	[tilespmem:s23+$0xFFFFFFC0] =	vst v7  }
0x63: {  	v1 =	vmul.f32 v1, v2;
	[tilespmem:s23+$0x10] =	vst v8  }
0x64: {  	v3 =	vmul.f32 v3, v2;
	[tilespmem:s23+$0xFFFFFFE0] =	vst v6  }
0x65: {  	v5 =	vmul.f32 v5, v2;
	[tilespmem:s23+$0xFFFFFFF0] =	vst v1  }
0x66: {  	s21 =	sadd.s32 $0x1, s21;
	v1 =	vmul.f32 v4, v2;
	[tilespmem:s23+$0x20] =	vst v3  }
0x67: {  	p0 =	sne.s32 s21, $0x4F;
	[tilespmem:s23+$0x0] =	vst v5  }
.Ltmp2:
0x68: {  	s22 =	sadd.s32 $0x2800, s22;
	[tilespmem:s23+$0xFFFFFFD0] =	vst v1;
	(pc) =	sbr.rel @p0 .LBB2_4-.Ltmp2, $4  }
0x69: {  	[spmem:s2] =	stream.indirect.scatter.add.f32 [tilespmem:s15], [sflag:$0x1], $0x80, s22, s19, $0xb8;
	[tilespmem:$0x1F780] =	vst v63  }
0x6a: {  	_ =	swait.ge [sflag:s16], $0x4000  }
0x6b: {  	[sflag:s16] =	ssyncset.done $0x0  }
0x6c: {  	s20 =	sadd.s32 $0x80, s20;
	[sflag:s16] =	ssyncadd.s32 $0xFFFFC000  }
0x6d: {  	s3 =	sadd.s32 $0x1, s3  }
0x6e: {  	s20 =	sshll.u32 s0, $0x6;
	[bflag:$0x0] =	sbarrier.arrive $0xFFFF;
	p0 =	sne.s32 s3, s14  }
.Ltmp3:
0x6f: {  	s21 =	sshrl.u32 s5, $0x3;
	s20 =	sor.u32 $0x1C01, s20;
	(pc) =	sbr.rel @p0 .LBB2_1-.Ltmp3, $4  }
0x70: {  	[hbm:s13], [sflag:s20] =	dma.local [spmem:s21], $0x2800  }
0x71: {  	_ =	swait.ge [sflag:s16], $0x2800  }
0x72: {  	[sflag:s16] =	ssyncset.done $0x0  }
0x73: {  	[sflag:s16] =	ssyncadd.s32 $0xFFFFD800  }
0x74: {  	_ =	sfence.sel $0x180000  }
0x75: {  	[bflag:$0x0] =	sbarrier.arrive $0xFFFF  }
0x76: {  	p0 =	sne.s32 s0, $0x0;
	_ =	strace $0x9000004A  }
0x77: {  	s0 =	sadd.s32 @!p0 $0x100000, s1;
	[bflag:$0x2] =	sbarrier.arrive $0xFFFF  }
0x78: {  	[sflag:s0] =	ssyncadd.tile.s32 @!p0 $0x1;
	_ =	shalt  }
.Lfunc_end2:
_tile_overlayer_lowered:
.L_overlay_start_2:
0x79: {  	(tag) =	ssettag $0x2  }
0x7a: {  	s0 =	rddreg [dreg:$0x0];
	s2 =	stileid.u32  }
0x7b: {  	s1 =	rddreg [dreg:$0x1];
	p0 =	sne.s32 s2, $0x0  }
0x7c: {  	s3 =	rddreg [dreg:$0x2];
	[bflag:$0x3] =	sbarrier.arrive $0xFFFF;
	s2 =	simm.s32 @!p0 $0x1C01  }
0x7d: {  	[timem:s3], [sflag:s2] =	dma.local @!p0 [hbm:s0], s1  }
0x7e: {  	s0 =	simm.s32 @!p0 $0x1  }
0x7f: {  	_ =	swait.ge @!p0 [sflag:s0], s1  }
0x80: {  	s1 =	ssub.s32 @!p0 $0x0, s1;
	[sflag:s0] =	ssyncset.done @!p0 $0x0  }
0x81: {  	[sflag:s0] =	ssyncadd.s32 @!p0 s1  }
0x82: {  	[bflag:$0x3] =	sbarrier.arrive $0xFFFF  }
0x83: {  	_ =	shalt  }

// kernel: kernel.7.cloned.1.call-start
scs
__scs_entry_jumppad:
0x0: {  	(pc) =	sbr.rel $0x88, $3  }
0x1: {  	(tag) =	ssettag $0x0;
	lr =	simm.s32 $0x1  }
0x2: {  	[smem:$0x3F96] =	sst lr;
	_ =	strace $0xD0000000  }
0x3: {  	_ = 	snop  }
0x4: {  	_ = 	snop  }
0x5: {  	_ = 	snop  }
0x6: {  	_ = 	snop  }
0x7: {  	_ = 	snop  }
__scs_overlays_trampoline_lowered:
0x8: {  	[smem:$0x3FA5] =	sst s0  }
0x9: {  	[smem:$0x3FA6] =	sst s1  }
0xa: {  	[smem:$0x3FA7] =	sst s2  }
0xb: {  	[smem:$0x3FA8] =	sst s3  }
0xc: {  	[smem:$0x3FA9] =	sst s4  }
0xd: {  	[smem:$0x3FAA] =	sst s5  }
0xe: {  	[smem:$0x3FAB] =	sst s6  }
0xf: {  	[smem:$0x3FAC] =	sst s7  }
0x10: {  	[smem:$0x3FAD] =	sst s8  }
0x11: {  	[smem:$0x3FAE] =	sst s9;
	s0 =	simm.s32 @!p0 $0x0  }
0x12: {  	s1 =	sld [smem:$0x3F94];
	s0 =	simm.s32 @p0 $0x1  }
0x13: {  	[smem:$0x3FAF] =	sst s0;
	s0 =	simm.s32 @!p1 $0x0  }
0x14: {  	s2 =	sld [smem:$0x3F93];
	s0 =	simm.s32 @p1 $0x1  }
0x15: {  	[smem:$0x3FB0] =	sst s0;
	s0 =	simm.s32 @!p2 $0x0  }
0x16: {  	s3 =	sld [smem:$0x3FDB];
	s0 =	simm.s32 @p2 $0x1  }
0x17: {  	s4 =	simm.s32 $0x1BF5;
	[smem:$0x3FB2] =	sst s0  }
0x18: {  	s0 =	sld [smem:$0x3F95];
	_ =	swait.ge [sflag:s4], $0x0  }
0x19: {  	s7 =	sld [smem:$0x3F96]  }
0x1a: {  	s8 =	sadd.s32 $0xFFFFE003, lr  }
0x1b: {  	s9 =	sadd.s32 $0xFFFFFEF7, lr;
	s5 =	simm.s32 $0xFFFFFFFF;
	p2 =	slt.u32 s8, $0xFFFFF086  }
0x1c: {  	p1 =	slt.u32 s9, $0xF7A;
	s5 =	simm.s32 @!p2 $0x0  }
0x1d: {  	s5 =	simm.s32 @p1 $0x1;
	p0 =	seq.s32 s7, s2  }
0x1e: {  	s7 =	smul.u32 @!p0 $0xF7A, s2;
	p2 =	seq.s32 @!p0 s5, $0x0  }
0x1f: {  	s9 =	smul.u32 $0xF7A, s1;
	s8 =	simm.s32 @!p0 $0x1BF5;
	p2 =	por !p2, p0  }
0x20: {  	[sflag:s8] =	ssyncset.s32 @!p0 $0xFFFFF086;
	s6 =	sadd.s32 @!p0 s3, s7;
	s7 =	simm.s32 @!p0 $0x108  }
0x21: {  	s3 =	sadd.s32 s3, s9;
	s6 =	sadd.s32 @!p0 $0x88, s6;
	s7 =	simm.s32 @p2 $0x1082  }
0x22: {  	[simem:s7], [sflag:s8] =	dma.local @!p0 [hbm:s6], $0xF7A  }
0x23: {  	s9 =	sor.u32 $0xD0000000, s2;
	s6 =	simm.s32 $0x108;
	_ =	swait.ge @!p0 [sflag:s8], $0x0  }
0x24: {  	s3 =	sadd.s32 $0x88, s3;
	s6 =	simm.s32 @!p1 $0x1082;
	[sflag:s4] =	ssyncset.s32 $0xFFFFF086  }
0x25: {  	[simem:s6], [sflag:s4] =	dma.local [hbm:s3], $0xF7A  }
0x26: {  	[smem:$0x3F96] =	sst s1;
	(tag) =	ssettag s2;
	_ =	strace s9  }
0x27: {  	s1 =	sld [smem:$0x3FA6]  }
0x28: {  	s2 =	sld [smem:$0x3FA7]  }
0x29: {  	s4 =	sld [smem:$0x3FA9]  }
0x2a: {  	p0 =	seq.s32 s5, $0x0;
	s5 =	sld [smem:$0x3FAA]  }
0x2b: {  	s6 =	sld [smem:$0x3FAB]  }
0x2c: {  	s7 =	sld [smem:$0x3FAC]  }
0x2d: {  	s3 =	simm.s32 $0x108;
	s8 =	sld [smem:$0x3FAD]  }
0x2e: {  	s3 =	simm.s32 @!p0 $0x1082;
	s9 =	sld [smem:$0x3FAE]  }
0x2f: {  	lr =	sadd.s32 s0, s3;
	s0 =	sld [smem:$0x3FA5]  }
0x30: {  	s3 =	sld [smem:$0x3FA8]  }
0x31: {  	[smem:$0x3FB1] =	sst s10  }
0x32: {  	s10 =	sld [smem:$0x3FAF];
	_ =	sdelay $0x3  }
0x33: {  	p0 =	seq.s32 s10, $0x1;
	s10 =	sld [smem:$0x3FB1];
	_ =	sdelay $0x3  }
0x34: {  	[smem:$0x3FB1] =	sst s10  }
0x35: {  	s10 =	sld [smem:$0x3FB0];
	_ =	sdelay $0x3  }
0x36: {  	p1 =	seq.s32 s10, $0x1;
	s10 =	sld [smem:$0x3FB1];
	_ =	sdelay $0x3  }
0x37: {  	[smem:$0x3FB1] =	sst s10  }
0x38: {  	s10 =	sld [smem:$0x3FB2]  }
0x39: {  	_ = 	snop;
	(pc) =	sbr.ind lr, $3  }
0x3a: {  	_ = 	snop  }
0x3b: {  	_ = 	snop  }
0x3c: {  	p2 =	seq.s32 s10, $0x1;
	s10 =	sld [smem:$0x3FB1]  }
0x3d: {  	_ =	shalt  }
0x3e: {  	_ =	shalt  }
0x3f: {  	_ =	shalt  }
0x40: {  	_ =	shalt  }
0x41: {  	_ =	shalt  }
0x42: {  	_ =	shalt  }
0x43: {  	_ =	shalt  }
0x44: {  	_ =	shalt  }
0x45: {  	_ =	shalt  }
0x46: {  	_ =	shalt  }
0x47: {  	_ =	shalt  }
0x48: {  	_ =	shalt  }
0x49: {  	_ =	shalt  }
0x4a: {  	_ =	shalt  }
0x4b: {  	_ =	shalt  }
0x4c: {  	_ =	shalt  }
0x4d: {  	_ =	shalt  }
0x4e: {  	_ =	shalt  }
0x4f: {  	_ =	shalt  }
0x50: {  	_ =	shalt  }
0x51: {  	_ =	shalt  }
0x52: {  	_ =	shalt  }
0x53: {  	_ =	shalt  }
0x54: {  	_ =	shalt  }
0x55: {  	_ =	shalt  }
0x56: {  	_ =	shalt  }
0x57: {  	_ =	shalt  }
0x58: {  	_ =	shalt  }
0x59: {  	_ =	shalt  }
0x5a: {  	_ =	shalt  }
0x5b: {  	_ =	shalt  }
0x5c: {  	_ =	shalt  }
0x5d: {  	_ =	shalt  }
0x5e: {  	_ =	shalt  }
0x5f: {  	_ =	shalt  }
0x60: {  	_ =	shalt  }
0x61: {  	_ =	shalt  }
0x62: {  	_ =	shalt  }
0x63: {  	_ =	shalt  }
0x64: {  	_ =	shalt  }
0x65: {  	_ =	shalt  }
0x66: {  	_ =	shalt  }
0x67: {  	_ =	shalt  }
0x68: {  	_ =	shalt  }
0x69: {  	_ =	shalt  }
0x6a: {  	_ =	shalt  }
0x6b: {  	_ =	shalt  }
0x6c: {  	_ =	shalt  }
0x6d: {  	_ =	shalt  }
0x6e: {  	_ =	shalt  }
0x6f: {  	_ =	shalt  }
0x70: {  	_ =	shalt  }
0x71: {  	_ =	shalt  }
0x72: {  	_ =	shalt  }
0x73: {  	_ =	shalt  }
0x74: {  	_ =	shalt  }
0x75: {  	_ =	shalt  }
0x76: {  	_ =	shalt  }
0x77: {  	_ =	shalt  }
0x78: {  	_ =	shalt  }
0x79: {  	_ =	shalt  }
0x7a: {  	_ =	shalt  }
0x7b: {  	_ =	shalt  }
0x7c: {  	_ =	shalt  }
0x7d: {  	_ =	shalt  }
0x7e: {  	_ =	shalt  }
0x7f: {  	_ =	shalt  }
0x80: {  	_ =	shalt  }
0x81: {  	_ =	shalt  }
0x82: {  	_ =	shalt  }
0x83: {  	_ =	shalt  }
0x84: {  	_ =	shalt  }
0x85: {  	_ =	shalt  }
0x86: {  	_ =	shalt  }
0x87: {  	_ =	shalt  }
.Lfunc_end0:
.L_simem_size_0:
called_computation_lowered:
.L_overlay_start_0:
0x88: {  	s2 =	sld [smem:$0x3FD9]  }
0x89: {  	s3 =	sld [smem:$0x3FFE];
	_ =	sdelay $0x1  }
0x8a: {  	s1 =	srdreg.scid  }
0x8b: {  	s0 =	sand.u32 $0x1, s1  }
0x8c: {  	s14 =	sshll.u32 s0, $0xA;
	s2 =	sadd.s32 s3, s2  }
0x8d: {  	s2 =	sadd.s32 s2, s14  }
0x8e: {  	[smem:$0x3FBD] =	sst s2  }
0x8f: {  	_ = 	snop  }
0x90: {  	s2 =	sld [smem:$0x3FD0];
	_ =	sdelay $0x2  }
0x91: {  	s15 =	simm.s32 $0xA;
	s4 =	simm.s32 $0x10  }
0x92: {  	[smem:s4], [sflag:s15] =	dma.local [hbm:s2], $0x1  }
0x93: {  	_ =	swait.eq [sflag:s15], $0x1  }
0x94: {  	[sflag:s15] =	ssyncset.done $0x0  }
0x95: {  	s16 =	sld [smem:$0x10];
	[sflag:s15] =	ssyncadd.s32 $0xFFFFFFFF  }
0x96: {  	s17 =	sld [smem:$0x11];
	(tm) =	ssettm $0x1  }
0x97: {  	s18 =	sld [smem:$0x3FFB];
	_ =	sdelay $0x3  }
0x98: {  	_ =	strace s18  }
0x99: {  	s4 =	sld [smem:$0x3FFC];
	_ =	sdelay $0x3  }
0x9a: {  	_ =	strace s4  }
0x9b: {  	s4 =	sld [smem:$0x3FFD];
	_ =	sdelay $0x3  }
0x9c: {  	_ =	strace s4  }
0x9d: {  	_ =	strace $0x8FFFFFFF  }
0x9e: {  	s19 =	sld [smem:$0x3FDB];
	_ =	sdelay $0x1  }
0x9f: {  	s5 =	simm.s32 $_scs_section_size  }
0xa0: {  	s6 =	simm.s32 $_size__tile_overlayer_lowered;
	s7 =	simm.s32 $_tile_overlayer_lowered  }
0xa1: {  	s22 =	simm.s32 $0x1BFF;
	s21 =	sshll.u32 s7, $0x1;
	s4 =	sadd.s32 s5, s19  }
0xa2: {  	s8 =	simm.s32 $0x0;
	s20 =	sshll.u32 s6, $0x1;
	s6 =	sadd.s32 s21, s4  }
0xa3: {  	[timem:s8], [sflag:s22] =	dma.local [hbm:s6], s20  }
0xa4: {  	_ =	swait.ge [sflag:s22], s20  }
0xa5: {  	s5 =	ssub.s32 $0x0, s20;
	[sflag:s22] =	ssyncset.done $0x0  }
0xa6: {  	[sflag:s22] =	ssyncadd.s32 s5;
	_ =	sdelay $0x1  }
0xa7: {  	s23 =	simm.s32 $0x1B8B  }
0xa8: {  	_ =	swait.ge [sflag:s23], $0x1  }
0xa9: {  	[sflag:s23] =	ssyncset.done $0x0  }
0xaa: {  	s25 =	simm.s32 $0x1B8E;
	s24 =	sld [smem:$0x3FFE];
	[sflag:s23] =	ssyncadd.s32 $0xFFFFFFFF  }
0xab: {  	s26 =	simm.s32 $execute0_lowered;
	[smem:$0x3FD2] =	sst s25  }
0xac: {  	s6 =	sshll.u32 s26, $0x1;
	_ =	strace $0x80000046;
	[dreg:$0x1] =	wrdreg $0xFFFFFFFF  }
0xad: {  	s28 =	simm.s32 $_size_execute0_lowered;
	s4 =	sadd.s32 s4, s6;
	[dreg:$0x0] =	wrdreg $0x0  }
0xae: {  	s6 =	sshll.u32 s28, $0x1;
	[dreg:$0x2] =	wrdreg s4  }
0xaf: {  	[dreg:$0x3] =	wrdreg s6  }
0xb0: {  	[dreg:$0x4] =	wrdreg $0xC0  }
0xb1: {  	_ =	task [dreg:s8], $0x5FFFF  }
0xb2: {  	[dreg:$0x1] =	wrdreg $0xFFFFFFFF  }
0xb3: {  	[dreg:$0x0] =	wrdreg $0x60  }
0xb4: {  	[dreg:$0x2] =	wrdreg s24  }
0xb5: {  	[dreg:$0x3] =	wrdreg s16  }
0xb6: {  	[dreg:$0x4] =	wrdreg s17  }
0xb7: {  	[dreg:$0x5] =	wrdreg $0x9  }
0xb8: {  	_ =	task.clear_ibuf [dreg:s8], $0x6FFFF;
	_ =	strace $0x90000046  }
0xb9: {  	s29 =	simm.s32 $0x9;
	_ =	strace $0x80000048  }
0xba: {  	_ =	swait.ge [sflag:s29], $0x1  }
0xbb: {  	[sflag:s29] =	ssyncadd.s32 $0xFFFFFFFF  }
0xbc: {  	_ =	strace $0x90000048  }
0xbd: {  	_ =	sfence  }
0xbe: {  	s30 =	sld [smem:$0x0];
	_ =	sdelay $0x2  }
0xbf: {  	s31 =	sshll.u32 s1, $0xD;
	s1 =	sshrl.u32 s1, $0x2  }
0xc0: {  	s3 =	sand.u32 $0x4000, s31;
	s1 =	sadd.s32 s1, s30  }
0xc1: {  	s0 =	sor.u32 s3, s0;
	s1 =	sshll.u32 s1, $0x11  }
0xc2: {  	s0 =	sor.u32 s1, s0  }
0xc3: {  	s0 =	sadd.s32 $0x8F2B, s0  }
0xc4: {  	[sflag:s0] =	ssyncadd.remote.s32 $0x1  }
0xc5: {  	_ =	sfence.sel $0xFFFF  }
0xc6: {  	[dreg:$0x0] =	wrdreg $0xFFFFFFFF;
	(pc) =	sbr.abs _section_cstart, $3  }
0xc7: {  	[dreg:$0x1] =	wrdreg $0xFFFFFFFF  }
0xc8: {  	_ =	task.clear_ibuf [dreg:s8], $0x2FFFF;
	_ =	strace $0x9FFFFFFF  }
0xc9: {  	(tm) =	ssettm $0x7FFFFFFF  }
tec
execute0_lowered:
.L_overlay_start_1:
0x0: {  	(tag) =	ssettag $0x1  }
0x1: {  	s5 =	rddreg [dreg:$0x0]  }
0x2: {  	s0 =	srdreg.scid;
	s2 =	rddreg [dreg:$0x1]  }
0x3: {  	s8 =	rddreg [dreg:$0x2];
	s1 =	stileid.u32  }
0x4: {  	s3 =	simm.s32 $0x0;
	s13 =	simm.s32 $0x4F00;
	s14 =	simm.s32 $0x7680  }
0x5: {  	s15 =	simm.s32 $0x9E00;
	s16 =	simm.s32 $0xC580;
	s6 =	sand.u32 $0x1, s0  }
0x6: {  	s17 =	simm.s32 $0x0;
	s31 =	smul.u32 $0x2780, s1;
	s4 =	sshll.u32 s6, $0x4  }
0x7: {  	s0 =	rddreg [dreg:$0x3];
	s12 =	smul.u32 $0x27800, s6;
	s7 =	sor.u32 s1, s4  }
0x8: {  	[smem:$0x7FF] =	sst s3;
	s10 =	ssub.s32 $0x2, s6;
	s9 =	smul.u32 $0x2780, s7  }
0x9: {  	_ =	strace $0x80000047;
	s29 =	sshrl.u32 s10, $0x1;
	s11 =	smul.u32 $0x4E2, s7  }
0xa: {  	s4 =	sadd.s32 $0x15A00, s5;
	s30 =	ssub.s32 s10, s29;
	s10 =	sadd.s32 s31, s12  }
0xb: {  	s12 =	simm.s32 $0x2780;
	s9 =	sshrl.u32 s9, $0x3;
	s8 =	sadd.s32 s8, s11  }
0xc: {  	s11 =	simm.s32 $0x1;
	s28 =	sadd.s32 s9, s5;
	s9 =	smax.u32 s30, $0x1  }
0xd: {  	v0 =	vimm.f32 $0.0e+00;
	s5 =	sadd.s32 $0xBC00, s28;
	s6 =	sadd.s32 $0x1E00, s28;
	s7 =	sadd.s32 $0x16000, s28  }
.LBB2_1:
0xe: {  	[tilespmem:s3], [sflag:$0x1] =	stream.linear.gather [hbm4b:s5+s3], $0x2780, $0x38;
	[tilespmem:$0xED00] =	vst v63  }
0xf: {  	_ =	swait.ge [sflag:s11], $0x2780  }
0x10: {  	[sflag:s11] =	ssyncset.done $0x0  }
0x11: {  	[sflag:s11] =	ssyncadd.s32 $0xFFFFD880  }
0x12: {  	[tilespmem:s12], [sflag:$0x1] =	stream.linear.gather [hbm4b:s6+s3], $0x2780, $0x38;
	[tilespmem:$0xED00] =	vst v63  }
0x13: {  	_ =	swait.ge [sflag:s11], $0x2780  }
0x14: {  	[sflag:s11] =	ssyncset.done $0x0  }
0x15: {  	[sflag:s11] =	ssyncadd.s32 $0xFFFFD880  }
0x16: {  	[tilespmem:s13], [sflag:$0x1] =	stream.linear.gather [hbm4b:s2+s3], $0x2780, $0x38;
	[tilespmem:$0xED00] =	vst v63  }
0x17: {  	_ =	swait.ge [sflag:s11], $0x2780  }
0x18: {  	[sflag:s11] =	ssyncset.done $0x0  }
0x19: {  	[sflag:s11] =	ssyncadd.s32 $0xFFFFD880  }
0x1a: {  	[tilespmem:s14], [sflag:$0x1] =	stream.linear.gather [hbm4b:s4+s3], $0x2780, $0x38;
	[tilespmem:$0xED00] =	vst v63  }
0x1b: {  	_ =	swait.ge [sflag:s11], $0x2780  }
0x1c: {  	[sflag:s11] =	ssyncset.done $0x0  }
0x1d: {  	s18 =	simm.s32 $0x0;
	[sflag:s11] =	ssyncadd.s32 $0xFFFFD880  }
.LBB2_2:
0x1e: {  	p0 =	sne.s32 s18, $0x9C00  }
.Ltmp0:
0x1f: {  	_ = 	snop;
	(pc) =	sbr.rel @p0 .LBB2_2-.Ltmp0, $3  }
0x20: {  	_ =	sdelay $0x1  }
0x21: {  	s19 =	sshra.s32 s18, $0x2  }
0x22: {  	s18 =	sadd.s32 $0x40, s18;
	[tilespmem:s19+$0x9E00] =	vst v0  }
0x23: {  	s18 =	simm.s32 $0x0  }
0x24: {  	v1 =	vld [tilespmem:s18+$0x0]  }
0x25: {  	v2 =	vld [tilespmem:s18+$0x2780];
	_ =	sdelay $0x6  }
0x26: {  	v3 =	vld.idx.msk [tilespmem:v1+s13+$0x0], $0xffff  }
0x27: {  	v2 =	vld.idx.msk [tilespmem:v2+s14+$0x0], $0xffff;
	_ =	sdelay $0x4  }
0x28: {  	v2 =	vadd.f32 v2, v3;
	_ =	sdelay $0x1  }
0x29: {  	v2 =	vsub.f32 $0.0e+00, v2;
	_ =	sdelay $0x1  }
0x2a: {  	v2 =	vmul.f32 $1.442695020e+00, v2;
	_ =	sdelay $0x1  }
0x2b: {  	(erf) = vpow2.f32 v2;
	_ =	sdelay $0x8  }
0x2c: {  	v2 =	vpop (erf)  }
0x2d: {  	v2 =	vadd.f32 $1.000000000e+00, v2;
	_ =	sdelay $0x1  }
0x2e: {  	(erf) = vrcp.f32 v2;
	_ =	sdelay $0x8  }
0x2f: {  	p0 =	slt.u32 s10, $0x4E200;
	v2 =	vpop (erf)  }
0x30: {  	v2 =	vpsel !p0, $0x0, v2  }
0x31: {  	[tilespmem:s18+$0xC580] =	vst v2  }
0x32: {  	s18 =	simm.s32 $0x10;
	[tilespmem:v1+s15+$0x0] =	vst.idx.add.f32.msk $0xffff, v2  }
0x33: {  	v1 =	vld [tilespmem:s18+$0x0]  }
0x34: {  	s20 =	simm.s32 $0x80;
	s19 =	smov.u32 s10;
	v2 =	vld [tilespmem:s18+$0x2780]  }
.LBB2_4:
0x35: {  	p0 =	sne.s32 s20, $0x9DC0;
	_ =	sdelay $0x5  }
0x36: {  	v3 =	vld.idx.msk [tilespmem:v1+s13+$0x0], $0xffff  }
0x37: {  	v2 =	vld.idx.msk [tilespmem:v2+s14+$0x0], $0xffff;
	_ =	sdelay $0x5  }
0x38: {  	v2 =	vadd.f32 v2, v3;
	_ =	sdelay $0x1  }
0x39: {  	v2 =	vsub.f32 $0.0e+00, v2;
	_ =	sdelay $0x1  }
0x3a: {  	v2 =	vmul.f32 $1.442695020e+00, v2;
	_ =	sdelay $0x1  }
0x3b: {  	(erf) = vpow2.f32 v2;
	_ =	sdelay $0x8  }
0x3c: {  	v2 =	vpop (erf)  }
0x3d: {  	v2 =	vadd.f32 $1.000000000e+00, v2;
	_ =	sdelay $0x1  }
0x3e: {  	(erf) = vrcp.f32 v2;
	_ =	sdelay $0x7  }
0x3f: {  	s19 =	sadd.s32 $0x10, s19  }
0x40: {  	p1 =	slt.u32 s19, $0x4E200;
	v2 =	vpop (erf)  }
.Ltmp1:
0x41: {  	v2 =	vpsel !p1, $0x0, v2;
	(pc) =	sbr.rel @p0 .LBB2_4-.Ltmp1, $4  }
0x42: {  	[tilespmem:s18+$0xC580] =	vst v2  }
0x43: {  	s18 =	sshra.s32 s20, $0x2;
	[tilespmem:v1+s15+$0x0] =	vst.idx.add.f32.msk $0xffff, v2  }
0x44: {  	v1 =	vld [tilespmem:s18+$0x0]  }
0x45: {  	s20 =	sadd.s32 $0x40, s20;
	v2 =	vld [tilespmem:s18+$0x2780]  }
0x46: {  	_ =	sdelay $0x6  }
0x47: {  	v3 =	vld.idx.msk [tilespmem:v1+s13+$0x0], $0xffff  }
0x48: {  	v2 =	vld.idx.msk [tilespmem:v2+s14+$0x0], $0xffff;
	_ =	sdelay $0x4  }
0x49: {  	v2 =	vadd.f32 v2, v3;
	_ =	sdelay $0x1  }
0x4a: {  	v2 =	vsub.f32 $0.0e+00, v2;
	_ =	sdelay $0x1  }
0x4b: {  	v2 =	vmul.f32 $1.442695020e+00, v2;
	_ =	sdelay $0x1  }
0x4c: {  	(erf) = vpow2.f32 v2;
	_ =	sdelay $0x8  }
0x4d: {  	v2 =	vpop (erf)  }
0x4e: {  	v2 =	vadd.f32 $1.000000000e+00, v2;
	_ =	sdelay $0x1  }
0x4f: {  	(erf) = vrcp.f32 v2;
	_ =	sdelay $0x7  }
0x50: {  	s19 =	sadd.s32 $0x10, s19  }
0x51: {  	p0 =	slt.u32 s19, $0x4E200;
	v2 =	vpop (erf)  }
0x52: {  	v2 =	vpsel !p0, $0x0, v2  }
0x53: {  	[tilespmem:s18+$0xC580] =	vst v2  }
0x54: {  	[tilespmem:v1+s15+$0x0] =	vst.idx.add.f32.msk $0xffff, v2  }
0x55: {  	[hbm4b:s7+s3] =	stream.linear.scatter [tilespmem:s16], [sflag:$0x1], $0x2780, $0x38;
	[tilespmem:$0xED00] =	vst v63  }
0x56: {  	s17 =	sadd.s32 $0x1, s17;
	_ =	swait.ge [sflag:s11], $0x2780  }
0x57: {  	p0 =	sne.s32 s17, s9;
	[sflag:s11] =	ssyncset.done $0x0  }
.Ltmp2:
0x58: {  	[sflag:s11] =	ssyncadd.s32 $0xFFFFD880;
	(pc) =	sbr.rel @p0 .LBB2_1-.Ltmp2, $4  }
0x59: {  	[hbm4b:s8+s3] =	stream.linear.scatter [tilespmem:s15], [sflag:$0x1], $0x2710, $0x38;
	[tilespmem:$0xED00] =	vst v63  }
0x5a: {  	_ =	swait.ge [sflag:s11], $0x2710  }
0x5b: {  	[sflag:s11] =	ssyncset.done $0x0  }
0x5c: {  	[sflag:s11] =	ssyncadd.s32 $0xFFFFD8F0  }
0x5d: {  	_ =	sfence.sel $0x180000  }
0x5e: {  	[bflag:$0x0] =	sbarrier.arrive $0xFFFF  }
0x5f: {  	p0 =	sne.s32 s1, $0x0;
	_ =	strace $0x90000047  }
0x60: {  	s0 =	sadd.s32 @!p0 $0x100000, s0;
	[bflag:$0x2] =	sbarrier.arrive $0xFFFF  }
0x61: {  	[sflag:s0] =	ssyncadd.tile.s32 @!p0 $0x1;
	_ =	shalt  }
.Lfunc_end2:
_tile_overlayer_lowered:
.L_overlay_start_2:
0x62: {  	(tag) =	ssettag $0x2  }
0x63: {  	s0 =	rddreg [dreg:$0x0];
	s2 =	stileid.u32  }
0x64: {  	s1 =	rddreg [dreg:$0x1];
	p0 =	sne.s32 s2, $0x0  }
0x65: {  	s3 =	rddreg [dreg:$0x2];
	[bflag:$0x3] =	sbarrier.arrive $0xFFFF;
	s2 =	simm.s32 @!p0 $0x1C01  }
0x66: {  	[timem:s3], [sflag:s2] =	dma.local @!p0 [hbm:s0], s1  }
0x67: {  	s0 =	simm.s32 @!p0 $0x1  }
0x68: {  	_ =	swait.ge @!p0 [sflag:s0], s1  }
0x69: {  	s1 =	ssub.s32 @!p0 $0x0, s1;
	[sflag:s0] =	ssyncset.done @!p0 $0x0  }
0x6a: {  	[sflag:s0] =	ssyncadd.s32 @!p0 s1  }
0x6b: {  	[bflag:$0x3] =	sbarrier.arrive $0xFFFF  }
0x6c: {  	_ =	shalt  }

</sc_bundles>
